<compile_context>
chip_gen: v7x
topology: tpu7x:2x2x1
jax: 0.10.2.dev20260603
libtpu: 0.0.44.dev20260713+nightly
codegen_flags: <defaults>
</compile_context>

<pallas_src>
import jax
import jax.numpy as jnp
from jax import lax
from jax.experimental import pallas as pl
from jax.experimental.pallas import tpu as pltpu
from jax.experimental.pallas import tpu_sc as plsc

B, N, C, K, H = 2, 4096, 64, 16, 16
BN = B * N
R = BN * K
D = 128
F32 = jnp.float32

BLKQ = 512


def _knn_body(q_ref, base_ref, out_ref):
    b = pl.program_id(0)
    q = q_ref[0]
    base = base_ref[0]
    q2 = jnp.sum(q * q, axis=1, keepdims=True)
    b2 = jnp.sum(base * base, axis=1)
    qb = jnp.dot(q, base.T, preferred_element_type=F32)
    d = (q2 - 2.0 * qb) + b2[None, :]
    offs = b * N
    INF = jnp.float32(jnp.inf)
    iota = lax.broadcasted_iota(jnp.int32, (BLKQ, N), 1)
    cols = []
    for _ in range(K):
        mn = jnp.min(d, axis=1, keepdims=True)
        idxj = jnp.min(jnp.where(d <= mn, iota, N), axis=1)
        cols.append((idxj + offs)[:, None])
        d = jnp.where(iota == idxj[:, None], INF, d)
    out_ref[0] = jnp.concatenate(cols, axis=1)


def _knn(xyz8):
    return pl.pallas_call(
        _knn_body,
        grid=(B, N // BLKQ),
        in_specs=[
            pl.BlockSpec((1, BLKQ, 8), lambda b, i: (b, i, 0)),
            pl.BlockSpec((1, N, 8), lambda b, i: (b, 0, 0)),
        ],
        out_specs=pl.BlockSpec((1, BLKQ, K), lambda b, i: (b, i, 0)),
        out_shape=jax.ShapeDtypeStruct((B, N, K), jnp.int32),
    )(xyz8, xyz8)


NW = 32
CH = 128
ROWS_PER_W = R // NW
ITERS = ROWS_PER_W // CH


def _sc_gather_body(tab, idx_hbm, out, idxA, idxB, bufA, bufB, semA, semB):
    wid = lax.axis_index("s") * 2 + lax.axis_index("c")
    base = wid * ROWS_PER_W

    pltpu.sync_copy(idx_hbm.at[pl.ds(base, CH)], idxA)
    pltpu.async_copy(tab.at[idxA], bufA, semA)

    def body(t, carry):
        offB = base + (2 * t + 1) * CH
        pltpu.sync_copy(idx_hbm.at[pl.ds(offB, CH)], idxB)
        pltpu.async_copy(tab.at[idxB], bufB, semB)
        pltpu.make_async_copy(tab.at[idxA], bufA, semA).wait()
        pltpu.sync_copy(bufA, out.at[pl.ds(base + 2 * t * CH, CH)])

        @pl.when(t < ITERS // 2 - 1)
        def _prefetch_a():
            offA = base + (2 * t + 2) * CH
            pltpu.sync_copy(idx_hbm.at[pl.ds(offA, CH)], idxA)
            pltpu.async_copy(tab.at[idxA], bufA, semA)

        pltpu.make_async_copy(tab.at[idxB], bufB, semB).wait()
        pltpu.sync_copy(bufB, out.at[pl.ds(offB, CH)])
        return carry

    lax.fori_loop(0, ITERS // 2, body, 0)


def _sc_gather(tab, idx_flat):
    fn = pl.kernel(
        _sc_gather_body,
        out_type=jax.ShapeDtypeStruct((R, D), F32),
        mesh=plsc.VectorSubcoreMesh(core_axis_name="c", subcore_axis_name="s"),
        scratch_types=[
            pltpu.VMEM((CH,), jnp.int32),
            pltpu.VMEM((CH,), jnp.int32),
            pltpu.VMEM((CH, D), F32),
            pltpu.VMEM((CH, D), F32),
            pltpu.SemaphoreType.DMA,
            pltpu.SemaphoreType.DMA,
        ],
    )
    return fn(tab, idx_flat)


def _tab1_body(c_ref, p_ref, x_ref, o_ref):
    diff = c_ref[...] - p_ref[...]
    z = jnp.zeros((c_ref.shape[0], D - C - 16), F32)
    o_ref[...] = jnp.concatenate([diff, x_ref[...], z], axis=1)


def _tab1(cost_r, points_r, xyzr16):
    blk = 1024
    return pl.pallas_call(
        _tab1_body,
        grid=(BN // blk,),
        in_specs=[
            pl.BlockSpec((blk, C), lambda i: (i, 0)),
            pl.BlockSpec((blk, C), lambda i: (i, 0)),
            pl.BlockSpec((blk, 16), lambda i: (i, 0)),
        ],
        out_specs=pl.BlockSpec((blk, D), lambda i: (i, 0)),
        out_shape=jax.ShapeDtypeStruct((BN, D), F32),
    )(cost_r, points_r, xyzr16)


BLK3 = 256
GRID3 = BN // BLK3


def _pc_body(g1_ref, xyzr_ref, wnWT_ref, wnb_ref, pcW2T_ref, pcb_ref,
             raw_ref, rel_ref, psum_ref, psumsq_ref):
    g1 = g1_ref[...]
    gd = g1[:, :C]
    gx = g1[:, C:C + 16]
    xr = xyzr_ref[...]
    xrep = jnp.broadcast_to(xr[:, None, :], (BLK3, K, 16)).reshape(BLK3 * K, 16)
    rel = gx - xrep
    rel_ref[...] = rel
    w = jnp.maximum(jnp.dot(rel, wnWT_ref[...], preferred_element_type=F32)
                    + wnb_ref[...], 0.0)
    raw = jnp.broadcast_to(pcb_ref[...], (BLK3, C))
    for h in range(H):
        prod = (w[:, h:h + 1] * gd).reshape(BLK3, K, C)
        s = jnp.sum(prod, axis=1)
        raw = raw + jnp.dot(s, pcW2T_ref[h * C:(h + 1) * C, :],
                            preferred_element_type=F32)
    raw_ref[...] = raw
    psum_ref[0, 0, :] = jnp.sum(raw, axis=0)
    psumsq_ref[0, 0, :] = jnp.sum(raw * raw, axis=0)


def _pointconv(g1, xyzr16, wnWT, wnb, pcW2T, pcb):
    return pl.pallas_call(
        _pc_body,
        grid=(GRID3,),
        in_specs=[
            pl.BlockSpec((BLK3 * K, D), lambda i: (i, 0)),
            pl.BlockSpec((BLK3, 16), lambda i: (i, 0)),
            pl.BlockSpec((16, 16), lambda i: (0, 0)),
            pl.BlockSpec((1, 16), lambda i: (0, 0)),
            pl.BlockSpec((C * H, C), lambda i: (0, 0)),
            pl.BlockSpec((1, C), lambda i: (0, 0)),
        ],
        out_specs=[
            pl.BlockSpec((BLK3, C), lambda i: (i, 0)),
            pl.BlockSpec((BLK3 * K, 16), lambda i: (i, 0)),
            pl.BlockSpec((1, 1, C), lambda i: (i, 0, 0)),
            pl.BlockSpec((1, 1, C), lambda i: (i, 0, 0)),
        ],
        out_shape=[
            jax.ShapeDtypeStruct((BN, C), F32),
            jax.ShapeDtypeStruct((R, 16), F32),
            jax.ShapeDtypeStruct((GRID3, 1, C), F32),
            jax.ShapeDtypeStruct((GRID3, 1, C), F32),
        ],
    )(g1, xyzr16, wnWT, wnb, pcW2T, pcb)


BLK4 = 1024
GRID4 = BN // BLK4


def _tr_body(raw_ref, cost_ref, psum_ref, psumsq_ref, gam_ref, bet_ref,
             WkT_ref, WvT_ref, WqT_ref, tab2_ref, q_ref):
    ps = psum_ref[...]
    pq = psumsq_ref[...]
    s = jnp.sum(ps, axis=(0, 1))
    sq = jnp.sum(pq, axis=(0, 1))
    mean = s * (1.0 / BN)
    var = sq * (1.0 / BN) - mean * mean
    inv = lax.rsqrt(var + 1e-5)
    x = raw_ref[...]
    bn = (x - mean[None, :]) * (inv * gam_ref[0])[None, :] + bet_ref[0][None, :]
    act = jnp.where(bn >= 0.0, bn, 0.1 * bn)
    cm = cost_ref[...] + act
    kf = jnp.dot(cm, WkT_ref[...], preferred_element_type=F32)
    vf = jnp.dot(cm, WvT_ref[...], preferred_element_type=F32)
    q = jnp.dot(cm, WqT_ref[...], preferred_element_type=F32)
    tab2_ref[...] = jnp.concatenate([kf, vf], axis=1)
    q_ref[...] = q


def _transform(raw, cost_r, psum, psumsq, gam, bet, WkT, WvT, WqT):
    return pl.pallas_call(
        _tr_body,
        grid=(GRID4,),
        in_specs=[
            pl.BlockSpec((BLK4, C), lambda i: (i, 0)),
            pl.BlockSpec((BLK4, C), lambda i: (i, 0)),
            pl.BlockSpec((GRID3, 1, C), lambda i: (0, 0, 0)),
            pl.BlockSpec((GRID3, 1, C), lambda i: (0, 0, 0)),
            pl.BlockSpec((1, C), lambda i: (0, 0)),
            pl.BlockSpec((1, C), lambda i: (0, 0)),
            pl.BlockSpec((C, C), lambda i: (0, 0)),
            pl.BlockSpec((C, C), lambda i: (0, 0)),
            pl.BlockSpec((C, C), lambda i: (0, 0)),
        ],
        out_specs=[
            pl.BlockSpec((BLK4, 2 * C), lambda i: (i, 0)),
            pl.BlockSpec((BLK4, C), lambda i: (i, 0)),
        ],
        out_shape=[
            jax.ShapeDtypeStruct((BN, 2 * C), F32),
            jax.ShapeDtypeStruct((BN, C), F32),
        ],
    )(raw, cost_r, psum, psumsq, gam, bet, WkT, WvT, WqT)


BLK6 = 512
GRID6 = BN // BLK6


def _att_body(rel_ref, q_ref, g2_ref, WpT_ref, bp_ref, WaT_ref, ba_ref,
              out_ref):
    rel = rel_ref[...]
    pos = jnp.dot(rel, WpT_ref[...], preferred_element_type=F32) + bp_ref[...]
    g2 = g2_ref[...]
    kf = g2[:, :C]
    vf = g2[:, C:]
    q = q_ref[...]
    qrep = jnp.broadcast_to(q[:, None, :], (BLK6, K, C)).reshape(BLK6 * K, C)
    e = qrep - kf + pos
    sc = jnp.dot(jnp.maximum(e, 0.0), WaT_ref[...],
                 preferred_element_type=F32) + ba_ref[...]
    s3 = sc.reshape(BLK6, K, C)
    vp3 = (vf + pos).reshape(BLK6, K, C)
    m = jnp.max(s3, axis=1)
    p3 = jnp.exp(s3 - m[:, None, :])
    denom = jnp.sum(p3, axis=1)
    acc = jnp.sum(p3 * vp3, axis=1)
    out_ref[...] = acc / denom


def _attention(rel, qrows, g2, WpT, bp, WaT, ba):
    return pl.pallas_call(
        _att_body,
        grid=(GRID6,),
        in_specs=[
            pl.BlockSpec((BLK6 * K, 16), lambda i: (i, 0)),
            pl.BlockSpec((BLK6, C), lambda i: (i, 0)),
            pl.BlockSpec((BLK6 * K, 2 * C), lambda i: (i, 0)),
            pl.BlockSpec((16, C), lambda i: (0, 0)),
            pl.BlockSpec((1, C), lambda i: (0, 0)),
            pl.BlockSpec((C, C), lambda i: (0, 0)),
            pl.BlockSpec((1, C), lambda i: (0, 0)),
        ],
        out_specs=pl.BlockSpec((BLK6, C), lambda i: (i, 0)),
        out_shape=jax.ShapeDtypeStruct((BN, C), F32),
    )(rel, qrows, g2, WpT, bp, WaT, ba)


def kernel(xyz, points, cost, wn_W, wn_b, pc_W, pc_b, bn_gamma, bn_beta,
           Wq, Wk, Wv, Wp, bp, Wa, ba):
    xyz_t = jnp.transpose(xyz, (0, 2, 1))
    xyz8 = jnp.pad(xyz_t, ((0, 0), (0, 0), (0, 5)))
    xyzr16 = jnp.pad(xyz_t.reshape(BN, 3), ((0, 0), (0, 13)))
    cost_r = jnp.transpose(cost, (0, 2, 1)).reshape(BN, C)
    points_r = jnp.transpose(points, (0, 2, 1)).reshape(BN, C)

    wnWT = jnp.pad(wn_W, ((0, 0), (0, 13))).T
    wnb2 = wn_b[None, :]
    pcW2T = jnp.transpose(pc_W.reshape(C, C, H), (2, 1, 0)).reshape(C * H, C)
    pcb2 = pc_b[None, :]
    WpT = jnp.pad(Wp, ((0, 0), (0, 13))).T
    bp2 = bp[None, :]

    tab1 = _tab1(cost_r, points_r, xyzr16)
    idx = _knn(xyz8)
    idx_flat = idx.reshape(R)

    g1 = _sc_gather(tab1, idx_flat)
    raw, rel, psum, psumsq = _pointconv(g1, xyzr16, wnWT, wnb2, pcW2T, pcb2)
    tab2, qrows = _transform(raw, cost_r, psum, psumsq,
                             bn_gamma[None, :], bn_beta[None, :],
                             Wk.T, Wv.T, Wq.T)
    g2 = _sc_gather(tab2, idx_flat)
    outr = _attention(rel, qrows, g2, WpT, bp2, Wa.T, ba[None, :])
    return jnp.transpose(outr.reshape(B, N, C), (0, 2, 1))

# --- scband reference (transcript-rebuilt; emitter-appended) ---
"""Pipeline reference for scband-flow-init-module-35648228557120 (READ-ONLY COPY).

The authoritative reference and input builder live on the scoring server;
editing this copy changes nothing except your own understanding.
"""

import jax, jax.numpy as jnp
import numpy as np

NSAMPLE = 16
K_CONV = 16
W_HID = 16

def k_nearest_neighbor(query, base, k):
    # query, base: [B, N, 3] -> idx [B, N, k]
    d = (jnp.sum(query * query, axis=-1, keepdims=True)
         - 2.0 * jnp.einsum('bnd,bmd->bnm', query, base)
         + jnp.sum(base * base, axis=-1)[:, None, :])
    _, idx = jax.lax.top_k(-d, k)
    return idx

def batch_indexing_channel_first(x, idx):
    # x: [B, C, N], idx: [B, M, k] -> [B, C, M, k]
    return jax.vmap(lambda xb, ib: xb[:, ib])(x, idx)

def pointconv(xyz, feat, wn_W, wn_b, pc_W, pc_b, bn_gamma, bn_beta):
    # PointConvNoSampling(dim_in, dim_in, norm='batch_norm', k=16)
    B, C, N = feat.shape
    H = wn_W.shape[0]
    xyz_t = jnp.transpose(xyz, (0, 2, 1))
    idx = k_nearest_neighbor(xyz_t, xyz_t, K_CONV)
    nb_xyz = batch_indexing_channel_first(xyz, idx)
    rel = nb_xyz - xyz[:, :, :, None]
    w = jnp.einsum('hc,bcnk->bhnk', wn_W, rel) + wn_b[None, :, None, None]
    w = jax.nn.relu(w)
    g = batch_indexing_channel_first(feat, idx)
    agg = jnp.einsum('bcnk,bhnk->bnch', g, w).reshape(B, N, C * H)
    out = agg @ pc_W.T + pc_b
    out = jnp.transpose(out, (0, 2, 1))
    mean = jnp.mean(out, axis=(0, 2), keepdims=True)
    var = jnp.var(out, axis=(0, 2), keepdims=True)
    out = (out - mean) / jnp.sqrt(var + 1e-5) * bn_gamma[None, :, None] + bn_beta[None, :, None]
    return jax.nn.leaky_relu(out, 0.1)

def self_attention(xyz, nb_xyz, feat, g_feat, Wq, Wk, Wv, Wp, bp, Wa, ba):
    # point-transformer-style vector attention over k neighbors
    q = jnp.einsum('oc,bcn->bon', Wq, feat)
    kf = jnp.einsum('oc,bcnk->bonk', Wk, g_feat)
    v = jnp.einsum('oc,bcnk->bonk', Wv, g_feat)
    rel = nb_xyz - xyz[:, :, :, None]
    pos = jnp.einsum('oc,bcnk->bonk', Wp, rel) + bp[None, :, None, None]
    e = q[:, :, :, None] - kf + pos
    e = jnp.einsum('oi,bink->bonk', Wa, jax.nn.relu(e)) + ba[None, :, None, None]
    attn = jax.nn.softmax(e, axis=-1)
    return jnp.sum(attn * (v + pos), axis=-1)

def setup_inputs(seed: int = 0):
    B, N, C_IN, C_OUT = 2, 4096, 64, 64
    key = jax.random.key(seed)
    ks = jax.random.split(key, 12)
    return {
        'xyz': jax.random.normal(ks[0], (B, 3, N), jnp.float32),
        'points': jax.random.normal(ks[1], (B, C_IN, N), jnp.float32) * 0.1,
        'cost': jax.random.normal(ks[2], (B, C_IN, N), jnp.float32) * 0.1,
        'wn_W': jax.random.normal(ks[3], (W_HID, 3), jnp.float32) * 0.3,
        'wn_b': jnp.zeros((W_HID,), jnp.float32),
        'pc_W': jax.random.normal(ks[4], (C_IN, C_IN * W_HID), jnp.float32) / np.sqrt(C_IN * W_HID),
        'pc_b': jnp.zeros((C_IN,), jnp.float32),
        'bn_gamma': jnp.ones((C_IN,), jnp.float32),
        'bn_beta': jnp.zeros((C_IN,), jnp.float32),
        'Wq': jax.random.normal(ks[5], (C_OUT, C_IN), jnp.float32) / np.sqrt(C_IN),
        'Wk': jax.random.normal(ks[6], (C_OUT, C_IN), jnp.float32) / np.sqrt(C_IN),
        'Wv': jax.random.normal(ks[7], (C_OUT, C_IN), jnp.float32) / np.sqrt(C_IN),
        'Wp': jax.random.normal(ks[8], (C_OUT, 3), jnp.float32) * 0.3,
        'bp': jnp.zeros((C_OUT,), jnp.float32),
        'Wa': jax.random.normal(ks[9], (C_OUT, C_OUT), jnp.float32) / np.sqrt(C_OUT),
        'ba': jnp.zeros((C_OUT,), jnp.float32),
    }

def reference(xyz, points, cost, wn_W, wn_b, pc_W, pc_b, bn_gamma, bn_beta, Wq, Wk, Wv, Wp, bp, Wa, ba):
    xyz_t = jnp.transpose(xyz, (0, 2, 1))
    knn_idx = k_nearest_neighbor(xyz_t, xyz_t, NSAMPLE)
    neighbor_xyz = batch_indexing_channel_first(xyz, knn_idx)
    diff = cost - points
    cost_add = pointconv(xyz, diff, wn_W, wn_b, pc_W, pc_b, bn_gamma, bn_beta)
    cost_mod = cost + cost_add
    grouped_cost = batch_indexing_channel_first(cost_mod, knn_idx)
    new_points = self_attention(xyz, neighbor_xyz, cost_mod, grouped_cost, Wq, Wk, Wv, Wp, bp, Wa, ba)
    return new_points

if __name__ == "__main__":
    import jax
    _d = setup_inputs()
    print(jax.jit(kernel)(*tuple(_d.values())))

</pallas_src>

<mosaic_0001>
#map = affine_map<(d0, d1) -> (0, 0)>
#map1 = affine_map<(d0, d1) -> (0)>
module attributes {stable_mosaic.version = 14 : i64} {
  func.func @_sc_gather_body(%arg0: i32, %arg1: i32, %arg2: memref<8192x128xf32, #tpu.memory_space<hbm>>, %arg3: memref<131072xi32, #tpu.memory_space<hbm>>, %arg4: memref<131072x128xf32, #tpu.memory_space<hbm>>, %arg5: memref<128xi32, #tpu.memory_space<vmem>>, %arg6: memref<128xi32, #tpu.memory_space<vmem>>, %arg7: memref<128x128xf32, #tpu.memory_space<vmem>>, %arg8: memref<128x128xf32, #tpu.memory_space<vmem>>, %arg9: memref<!tpu.dma_semaphore, #tpu.memory_space<semaphore_mem>>, %arg10: memref<!tpu.dma_semaphore, #tpu.memory_space<semaphore_mem>>) attributes {dimension_semantics = [#tpu.dimension_semantics<core_parallel>, #tpu.dimension_semantics<subcore_parallel>], iteration_bounds = array<i64: 2, 16>, scalar_prefetch = 0 : i64, scratch_operands = 6 : i64, tpu.core_type = #tpu.core_type<sc_vector_subcore>, window_params = [{transform_indices = #map}, {transform_indices = #map1}, {transform_indices = #map}]} {
    %mul3A = arith.constant 2 : i32
    %mul3A_0 = arith.muli %arg1, %mul3A : i32
    %add3A = arith.addi %mul3A_0, %arg0 : i32
    %mul3A_1 = arith.constant 4096 : i32
    %mul3A_2 = arith.muli %add3A, %mul3A_1 : i32
    "tpu.region"() ({
      %run_scoped3A = tpu.sem_alloc : memref<!tpu.dma_semaphore, #tpu.memory_space<semaphore_mem>>
      %dma_start3A_10 = tpu.memref_slice %arg3[%mul3A_2] : memref<131072xi32, #tpu.memory_space<hbm>> -> memref<128xi32, #tpu.memory_space<hbm>>
      %dma_start3A_11 = tpu.memref_slice %arg3[%mul3A_2] : memref<131072xi32, #tpu.memory_space<hbm>> -> memref<128xi32, #tpu.memory_space<hbm>>
      tpu.enqueue_dma source(%dma_start3A_11 : memref<128xi32, #tpu.memory_space<hbm>>) target(%arg5 : memref<128xi32, #tpu.memory_space<vmem>>) target_semaphore(%run_scoped3A : memref<!tpu.dma_semaphore, #tpu.memory_space<semaphore_mem>>)
      %dma_wait3A = tpu.memref_slice %arg3[%mul3A_2] : memref<131072xi32, #tpu.memory_space<hbm>> -> memref<128xi32, #tpu.memory_space<hbm>>
      %dma_wait3A_12 = tpu.memref_slice %arg3[%mul3A_2] : memref<131072xi32, #tpu.memory_space<hbm>> -> memref<128xi32, #tpu.memory_space<hbm>>
      tpu.wait_dma2 semaphore(%run_scoped3A : memref<!tpu.dma_semaphore, #tpu.memory_space<semaphore_mem>>) src(%dma_wait3A_12 : memref<128xi32, #tpu.memory_space<hbm>>) dst(%arg5 : memref<128xi32, #tpu.memory_space<vmem>>)
      tpu.yield
    }) : () -> ()
    %dma_start3A = arith.constant 0 : i32
    %dma_start3A_3 = arith.constant 0 : i32
    %dma_start3A_4 = tpu.memref_slice %arg2[%dma_start3A, %dma_start3A_3] : memref<8192x128xf32, #tpu.memory_space<hbm>> -> memref<8192x128xf32, #tpu.memory_space<hbm>>
    tpu.enqueue_indirect_dma source(%dma_start3A_4 : memref<8192x128xf32, #tpu.memory_space<hbm>>) target(%arg7 : memref<128x128xf32, #tpu.memory_space<vmem>>) offsets(%arg5 : memref<128xi32, #tpu.memory_space<vmem>>) semaphore(%arg9 : memref<!tpu.dma_semaphore, #tpu.memory_space<semaphore_mem>>)
    %scan3A = arith.constant 0 : i32
    %scan3A_5 = arith.constant 0 : i32
    %scan3A_6 = arith.constant 16 : i32
    %scan3A_7 = arith.addi %scan3A_5, %scan3A_6 : i32
    %scan3A_8 = arith.constant 1 : i32
    scf.for %scan3A_10 = %scan3A_5 to %scan3A_7 step %scan3A_8  : i32 {
      %mul3A_11 = arith.constant 2 : i32
      %mul3A_12 = arith.muli %mul3A_11, %scan3A_10 : i32
      %add3A_13 = arith.constant 1 : i32
      %add3A_14 = arith.addi %mul3A_12, %add3A_13 : i32
      %mul3A_15 = arith.constant 128 : i32
      %mul3A_16 = arith.muli %add3A_14, %mul3A_15 : i32
      %add3A_17 = arith.addi %mul3A_2, %mul3A_16 : i32
      "tpu.region"() ({
        %run_scoped3A = tpu.sem_alloc : memref<!tpu.dma_semaphore, #tpu.memory_space<semaphore_mem>>
        %dma_start3A_33 = tpu.memref_slice %arg3[%add3A_17] : memref<131072xi32, #tpu.memory_space<hbm>> -> memref<128xi32, #tpu.memory_space<hbm>>
        %dma_start3A_34 = tpu.memref_slice %arg3[%add3A_17] : memref<131072xi32, #tpu.memory_space<hbm>> -> memref<128xi32, #tpu.memory_space<hbm>>
        tpu.enqueue_dma source(%dma_start3A_34 : memref<128xi32, #tpu.memory_space<hbm>>) target(%arg6 : memref<128xi32, #tpu.memory_space<vmem>>) target_semaphore(%run_scoped3A : memref<!tpu.dma_semaphore, #tpu.memory_space<semaphore_mem>>)
        %dma_wait3A_35 = tpu.memref_slice %arg3[%add3A_17] : memref<131072xi32, #tpu.memory_space<hbm>> -> memref<128xi32, #tpu.memory_space<hbm>>
        %dma_wait3A_36 = tpu.memref_slice %arg3[%add3A_17] : memref<131072xi32, #tpu.memory_space<hbm>> -> memref<128xi32, #tpu.memory_space<hbm>>
        tpu.wait_dma2 semaphore(%run_scoped3A : memref<!tpu.dma_semaphore, #tpu.memory_space<semaphore_mem>>) src(%dma_wait3A_36 : memref<128xi32, #tpu.memory_space<hbm>>) dst(%arg6 : memref<128xi32, #tpu.memory_space<vmem>>)
        tpu.yield
      }) : () -> ()
      %dma_start3A_18 = arith.constant 0 : i32
      %dma_start3A_19 = arith.constant 0 : i32
      %dma_start3A_20 = tpu.memref_slice %arg2[%dma_start3A_18, %dma_start3A_19] : memref<8192x128xf32, #tpu.memory_space<hbm>> -> memref<8192x128xf32, #tpu.memory_space<hbm>>
      tpu.enqueue_indirect_dma source(%dma_start3A_20 : memref<8192x128xf32, #tpu.memory_space<hbm>>) target(%arg8 : memref<128x128xf32, #tpu.memory_space<vmem>>) offsets(%arg6 : memref<128xi32, #tpu.memory_space<vmem>>) semaphore(%arg10 : memref<!tpu.dma_semaphore, #tpu.memory_space<semaphore_mem>>)
      %dma_wait3A = arith.constant 0 : i32
      %dma_wait3A_21 = arith.constant 0 : i32
      %dma_wait3A_22 = tpu.memref_slice %arg2[%dma_wait3A, %dma_wait3A_21] : memref<8192x128xf32, #tpu.memory_space<hbm>> -> memref<8192x128xf32, #tpu.memory_space<hbm>>
      tpu.wait_indirect_dma semaphore(%arg9 : memref<!tpu.dma_semaphore, #tpu.memory_space<semaphore_mem>>) src(%dma_wait3A_22 : memref<8192x128xf32, #tpu.memory_space<hbm>>) dst(%arg7 : memref<128x128xf32, #tpu.memory_space<vmem>>)
      %mul3A_23 = arith.constant 2 : i32
      %mul3A_24 = arith.muli %mul3A_23, %scan3A_10 : i32
      %mul3A_25 = arith.constant 128 : i32
      %mul3A_26 = arith.muli %mul3A_24, %mul3A_25 : i32
      %add3A_27 = arith.addi %mul3A_2, %mul3A_26 : i32
      "tpu.region"() ({
        %run_scoped3A = tpu.sem_alloc : memref<!tpu.dma_semaphore, #tpu.memory_space<semaphore_mem>>
        %dma_start3A_33 = arith.constant 0 : i32
        %dma_start3A_34 = tpu.memref_slice %arg4[%add3A_27, %dma_start3A_33] : memref<131072x128xf32, #tpu.memory_space<hbm>> -> memref<128x128xf32, #tpu.memory_space<hbm>>
        %dma_start3A_35 = arith.constant 0 : i32
        %dma_start3A_36 = tpu.memref_slice %arg4[%add3A_27, %dma_start3A_35] : memref<131072x128xf32, #tpu.memory_space<hbm>> -> memref<128x128xf32, #tpu.memory_space<hbm>>
        tpu.enqueue_dma source(%arg7 : memref<128x128xf32, #tpu.memory_space<vmem>>) target(%dma_start3A_36 : memref<128x128xf32, #tpu.memory_space<hbm>>) target_semaphore(%run_scoped3A : memref<!tpu.dma_semaphore, #tpu.memory_space<semaphore_mem>>)
        %dma_wait3A_37 = arith.constant 0 : i32
        %dma_wait3A_38 = tpu.memref_slice %arg4[%add3A_27, %dma_wait3A_37] : memref<131072x128xf32, #tpu.memory_space<hbm>> -> memref<128x128xf32, #tpu.memory_space<hbm>>
        %dma_wait3A_39 = arith.constant 0 : i32
        %dma_wait3A_40 = tpu.memref_slice %arg4[%add3A_27, %dma_wait3A_39] : memref<131072x128xf32, #tpu.memory_space<hbm>> -> memref<128x128xf32, #tpu.memory_space<hbm>>
        tpu.wait_dma2 semaphore(%run_scoped3A : memref<!tpu.dma_semaphore, #tpu.memory_space<semaphore_mem>>) src(%arg7 : memref<128x128xf32, #tpu.memory_space<vmem>>) dst(%dma_wait3A_40 : memref<128x128xf32, #tpu.memory_space<hbm>>)
        tpu.yield
      }) : () -> ()
      %lt3A = arith.constant 15 : i32
      %lt3A_28 = arith.cmpi slt, %scan3A_10, %lt3A : i32
      %convert_element_type3A = arith.extui %lt3A_28 : i1 to i32
      %cond3A = arith.constant 0 : i32
      %cond3A_29 = arith.cmpi ne, %convert_element_type3A, %cond3A : i32
      scf.if %cond3A_29 {
        %mul3A_33 = arith.constant 2 : i32
        %mul3A_34 = arith.muli %mul3A_33, %scan3A_10 : i32
        %add3A_35 = arith.constant 2 : i32
        %add3A_36 = arith.addi %mul3A_34, %add3A_35 : i32
        %mul3A_37 = arith.constant 128 : i32
        %mul3A_38 = arith.muli %add3A_36, %mul3A_37 : i32
        %add3A_39 = arith.addi %mul3A_2, %mul3A_38 : i32
        "tpu.region"() ({
          %run_scoped3A = tpu.sem_alloc : memref<!tpu.dma_semaphore, #tpu.memory_space<semaphore_mem>>
          %dma_start3A_43 = tpu.memref_slice %arg3[%add3A_39] : memref<131072xi32, #tpu.memory_space<hbm>> -> memref<128xi32, #tpu.memory_space<hbm>>
          %dma_start3A_44 = tpu.memref_slice %arg3[%add3A_39] : memref<131072xi32, #tpu.memory_space<hbm>> -> memref<128xi32, #tpu.memory_space<hbm>>
          tpu.enqueue_dma source(%dma_start3A_44 : memref<128xi32, #tpu.memory_space<hbm>>) target(%arg5 : memref<128xi32, #tpu.memory_space<vmem>>) target_semaphore(%run_scoped3A : memref<!tpu.dma_semaphore, #tpu.memory_space<semaphore_mem>>)
          %dma_wait3A_45 = tpu.memref_slice %arg3[%add3A_39] : memref<131072xi32, #tpu.memory_space<hbm>> -> memref<128xi32, #tpu.memory_space<hbm>>
          %dma_wait3A_46 = tpu.memref_slice %arg3[%add3A_39] : memref<131072xi32, #tpu.memory_space<hbm>> -> memref<128xi32, #tpu.memory_space<hbm>>
          tpu.wait_dma2 semaphore(%run_scoped3A : memref<!tpu.dma_semaphore, #tpu.memory_space<semaphore_mem>>) src(%dma_wait3A_46 : memref<128xi32, #tpu.memory_space<hbm>>) dst(%arg5 : memref<128xi32, #tpu.memory_space<vmem>>)
          tpu.yield
        }) : () -> ()
        %dma_start3A_40 = arith.constant 0 : i32
        %dma_start3A_41 = arith.constant 0 : i32
        %dma_start3A_42 = tpu.memref_slice %arg2[%dma_start3A_40, %dma_start3A_41] : memref<8192x128xf32, #tpu.memory_space<hbm>> -> memref<8192x128xf32, #tpu.memory_space<hbm>>
        tpu.enqueue_indirect_dma source(%dma_start3A_42 : memref<8192x128xf32, #tpu.memory_space<hbm>>) target(%arg7 : memref<128x128xf32, #tpu.memory_space<vmem>>) offsets(%arg5 : memref<128xi32, #tpu.memory_space<vmem>>) semaphore(%arg9 : memref<!tpu.dma_semaphore, #tpu.memory_space<semaphore_mem>>)
      } else {
      }
      %dma_wait3A_30 = arith.constant 0 : i32
      %dma_wait3A_31 = arith.constant 0 : i32
      %dma_wait3A_32 = tpu.memref_slice %arg2[%dma_wait3A_30, %dma_wait3A_31] : memref<8192x128xf32, #tpu.memory_space<hbm>> -> memref<8192x128xf32, #tpu.memory_space<hbm>>
      tpu.wait_indirect_dma semaphore(%arg10 : memref<!tpu.dma_semaphore, #tpu.memory_space<semaphore_mem>>) src(%dma_wait3A_32 : memref<8192x128xf32, #tpu.memory_space<hbm>>) dst(%arg8 : memref<128x128xf32, #tpu.memory_space<vmem>>)
      "tpu.region"() ({
        %run_scoped3A = tpu.sem_alloc : memref<!tpu.dma_semaphore, #tpu.memory_space<semaphore_mem>>
        %dma_start3A_33 = arith.constant 0 : i32
        %dma_start3A_34 = tpu.memref_slice %arg4[%add3A_17, %dma_start3A_33] : memref<131072x128xf32, #tpu.memory_space<hbm>> -> memref<128x128xf32, #tpu.memory_space<hbm>>
        %dma_start3A_35 = arith.constant 0 : i32
        %dma_start3A_36 = tpu.memref_slice %arg4[%add3A_17, %dma_start3A_35] : memref<131072x128xf32, #tpu.memory_space<hbm>> -> memref<128x128xf32, #tpu.memory_space<hbm>>
        tpu.enqueue_dma source(%arg8 : memref<128x128xf32, #tpu.memory_space<vmem>>) target(%dma_start3A_36 : memref<128x128xf32, #tpu.memory_space<hbm>>) target_semaphore(%run_scoped3A : memref<!tpu.dma_semaphore, #tpu.memory_space<semaphore_mem>>)
        %dma_wait3A_37 = arith.constant 0 : i32
        %dma_wait3A_38 = tpu.memref_slice %arg4[%add3A_17, %dma_wait3A_37] : memref<131072x128xf32, #tpu.memory_space<hbm>> -> memref<128x128xf32, #tpu.memory_space<hbm>>
        %dma_wait3A_39 = arith.constant 0 : i32
        %dma_wait3A_40 = tpu.memref_slice %arg4[%add3A_17, %dma_wait3A_39] : memref<131072x128xf32, #tpu.memory_space<hbm>> -> memref<128x128xf32, #tpu.memory_space<hbm>>
        tpu.wait_dma2 semaphore(%run_scoped3A : memref<!tpu.dma_semaphore, #tpu.memory_space<semaphore_mem>>) src(%arg8 : memref<128x128xf32, #tpu.memory_space<vmem>>) dst(%dma_wait3A_40 : memref<128x128xf32, #tpu.memory_space<hbm>>)
        tpu.yield
      }) : () -> ()
    }
    %scan3A_9 = arith.constant 16 : i32
    return
  }
}

#map = affine_map<(d0, d1) -> (0, 0)>
#map1 = affine_map<(d0, d1) -> (0)>
module attributes {stable_mosaic.version = 14 : i64} {
  func.func @_sc_gather_body(%arg0: i32, %arg1: i32, %arg2: memref<8192x128xf32, #tpu.memory_space<hbm>>, %arg3: memref<131072xi32, #tpu.memory_space<hbm>>, %arg4: memref<131072x128xf32, #tpu.memory_space<hbm>>, %arg5: memref<128xi32, #tpu.memory_space<vmem>>, %arg6: memref<128xi32, #tpu.memory_space<vmem>>, %arg7: memref<128x128xf32, #tpu.memory_space<vmem>>, %arg8: memref<128x128xf32, #tpu.memory_space<vmem>>, %arg9: memref<!tpu.dma_semaphore, #tpu.memory_space<semaphore_mem>>, %arg10: memref<!tpu.dma_semaphore, #tpu.memory_space<semaphore_mem>>) attributes {dimension_semantics = [#tpu.dimension_semantics<core_parallel>, #tpu.dimension_semantics<subcore_parallel>], iteration_bounds = array<i64: 2, 16>, scalar_prefetch = 0 : i64, scratch_operands = 6 : i64, tpu.core_type = #tpu.core_type<sc_vector_subcore>, window_params = [{transform_indices = #map}, {transform_indices = #map1}, {transform_indices = #map}]} {
    %mul3A = arith.constant 2 : i32
    %mul3A_0 = arith.muli %arg1, %mul3A : i32
    %add3A = arith.addi %mul3A_0, %arg0 : i32
    %mul3A_1 = arith.constant 4096 : i32
    %mul3A_2 = arith.muli %add3A, %mul3A_1 : i32
    "tpu.region"() ({
      %run_scoped3A = tpu.sem_alloc : memref<!tpu.dma_semaphore, #tpu.memory_space<semaphore_mem>>
      %dma_start3A_10 = tpu.memref_slice %arg3[%mul3A_2] : memref<131072xi32, #tpu.memory_space<hbm>> -> memref<128xi32, #tpu.memory_space<hbm>>
      %dma_start3A_11 = tpu.memref_slice %arg3[%mul3A_2] : memref<131072xi32, #tpu.memory_space<hbm>> -> memref<128xi32, #tpu.memory_space<hbm>>
      tpu.enqueue_dma source(%dma_start3A_11 : memref<128xi32, #tpu.memory_space<hbm>>) target(%arg5 : memref<128xi32, #tpu.memory_space<vmem>>) target_semaphore(%run_scoped3A : memref<!tpu.dma_semaphore, #tpu.memory_space<semaphore_mem>>)
      %dma_wait3A = tpu.memref_slice %arg3[%mul3A_2] : memref<131072xi32, #tpu.memory_space<hbm>> -> memref<128xi32, #tpu.memory_space<hbm>>
      %dma_wait3A_12 = tpu.memref_slice %arg3[%mul3A_2] : memref<131072xi32, #tpu.memory_space<hbm>> -> memref<128xi32, #tpu.memory_space<hbm>>
      tpu.wait_dma2 semaphore(%run_scoped3A : memref<!tpu.dma_semaphore, #tpu.memory_space<semaphore_mem>>) src(%dma_wait3A_12 : memref<128xi32, #tpu.memory_space<hbm>>) dst(%arg5 : memref<128xi32, #tpu.memory_space<vmem>>)
      tpu.yield
    }) : () -> ()
    %dma_start3A = arith.constant 0 : i32
    %dma_start3A_3 = arith.constant 0 : i32
    %dma_start3A_4 = tpu.memref_slice %arg2[%dma_start3A, %dma_start3A_3] : memref<8192x128xf32, #tpu.memory_space<hbm>> -> memref<8192x128xf32, #tpu.memory_space<hbm>>
    tpu.enqueue_indirect_dma source(%dma_start3A_4 : memref<8192x128xf32, #tpu.memory_space<hbm>>) target(%arg7 : memref<128x128xf32, #tpu.memory_space<vmem>>) offsets(%arg5 : memref<128xi32, #tpu.memory_space<vmem>>) semaphore(%arg9 : memref<!tpu.dma_semaphore, #tpu.memory_space<semaphore_mem>>)
    %scan3A = arith.constant 0 : i32
    %scan3A_5 = arith.constant 0 : i32
    %scan3A_6 = arith.constant 16 : i32
    %scan3A_7 = arith.addi %scan3A_5, %scan3A_6 : i32
    %scan3A_8 = arith.constant 1 : i32
    scf.for %scan3A_10 = %scan3A_5 to %scan3A_7 step %scan3A_8  : i32 {
      %mul3A_11 = arith.constant 2 : i32
      %mul3A_12 = arith.muli %mul3A_11, %scan3A_10 : i32
      %add3A_13 = arith.constant 1 : i32
      %add3A_14 = arith.addi %mul3A_12, %add3A_13 : i32
      %mul3A_15 = arith.constant 128 : i32
      %mul3A_16 = arith.muli %add3A_14, %mul3A_15 : i32
      %add3A_17 = arith.addi %mul3A_2, %mul3A_16 : i32
      "tpu.region"() ({
        %run_scoped3A = tpu.sem_alloc : memref<!tpu.dma_semaphore, #tpu.memory_space<semaphore_mem>>
        %dma_start3A_33 = tpu.memref_slice %arg3[%add3A_17] : memref<131072xi32, #tpu.memory_space<hbm>> -> memref<128xi32, #tpu.memory_space<hbm>>
        %dma_start3A_34 = tpu.memref_slice %arg3[%add3A_17] : memref<131072xi32, #tpu.memory_space<hbm>> -> memref<128xi32, #tpu.memory_space<hbm>>
        tpu.enqueue_dma source(%dma_start3A_34 : memref<128xi32, #tpu.memory_space<hbm>>) target(%arg6 : memref<128xi32, #tpu.memory_space<vmem>>) target_semaphore(%run_scoped3A : memref<!tpu.dma_semaphore, #tpu.memory_space<semaphore_mem>>)
        %dma_wait3A_35 = tpu.memref_slice %arg3[%add3A_17] : memref<131072xi32, #tpu.memory_space<hbm>> -> memref<128xi32, #tpu.memory_space<hbm>>
        %dma_wait3A_36 = tpu.memref_slice %arg3[%add3A_17] : memref<131072xi32, #tpu.memory_space<hbm>> -> memref<128xi32, #tpu.memory_space<hbm>>
        tpu.wait_dma2 semaphore(%run_scoped3A : memref<!tpu.dma_semaphore, #tpu.memory_space<semaphore_mem>>) src(%dma_wait3A_36 : memref<128xi32, #tpu.memory_space<hbm>>) dst(%arg6 : memref<128xi32, #tpu.memory_space<vmem>>)
        tpu.yield
      }) : () -> ()
      %dma_start3A_18 = arith.constant 0 : i32
      %dma_start3A_19 = arith.constant 0 : i32
      %dma_start3A_20 = tpu.memref_slice %arg2[%dma_start3A_18, %dma_start3A_19] : memref<8192x128xf32, #tpu.memory_space<hbm>> -> memref<8192x128xf32, #tpu.memory_space<hbm>>
      tpu.enqueue_indirect_dma source(%dma_start3A_20 : memref<8192x128xf32, #tpu.memory_space<hbm>>) target(%arg8 : memref<128x128xf32, #tpu.memory_space<vmem>>) offsets(%arg6 : memref<128xi32, #tpu.memory_space<vmem>>) semaphore(%arg10 : memref<!tpu.dma_semaphore, #tpu.memory_space<semaphore_mem>>)
      %dma_wait3A = arith.constant 0 : i32
      %dma_wait3A_21 = arith.constant 0 : i32
      %dma_wait3A_22 = tpu.memref_slice %arg2[%dma_wait3A, %dma_wait3A_21] : memref<8192x128xf32, #tpu.memory_space<hbm>> -> memref<8192x128xf32, #tpu.memory_space<hbm>>
      tpu.wait_indirect_dma semaphore(%arg9 : memref<!tpu.dma_semaphore, #tpu.memory_space<semaphore_mem>>) src(%dma_wait3A_22 : memref<8192x128xf32, #tpu.memory_space<hbm>>) dst(%arg7 : memref<128x128xf32, #tpu.memory_space<vmem>>)
      %mul3A_23 = arith.constant 2 : i32
      %mul3A_24 = arith.muli %mul3A_23, %scan3A_10 : i32
      %mul3A_25 = arith.constant 128 : i32
      %mul3A_26 = arith.muli %mul3A_24, %mul3A_25 : i32
      %add3A_27 = arith.addi %mul3A_2, %mul3A_26 : i32
      "tpu.region"() ({
        %run_scoped3A = tpu.sem_alloc : memref<!tpu.dma_semaphore, #tpu.memory_space<semaphore_mem>>
        %dma_start3A_33 = arith.constant 0 : i32
        %dma_start3A_34 = tpu.memref_slice %arg4[%add3A_27, %dma_start3A_33] : memref<131072x128xf32, #tpu.memory_space<hbm>> -> memref<128x128xf32, #tpu.memory_space<hbm>>
        %dma_start3A_35 = arith.constant 0 : i32
        %dma_start3A_36 = tpu.memref_slice %arg4[%add3A_27, %dma_start3A_35] : memref<131072x128xf32, #tpu.memory_space<hbm>> -> memref<128x128xf32, #tpu.memory_space<hbm>>
        tpu.enqueue_dma source(%arg7 : memref<128x128xf32, #tpu.memory_space<vmem>>) target(%dma_start3A_36 : memref<128x128xf32, #tpu.memory_space<hbm>>) target_semaphore(%run_scoped3A : memref<!tpu.dma_semaphore, #tpu.memory_space<semaphore_mem>>)
        %dma_wait3A_37 = arith.constant 0 : i32
        %dma_wait3A_38 = tpu.memref_slice %arg4[%add3A_27, %dma_wait3A_37] : memref<131072x128xf32, #tpu.memory_space<hbm>> -> memref<128x128xf32, #tpu.memory_space<hbm>>
        %dma_wait3A_39 = arith.constant 0 : i32
        %dma_wait3A_40 = tpu.memref_slice %arg4[%add3A_27, %dma_wait3A_39] : memref<131072x128xf32, #tpu.memory_space<hbm>> -> memref<128x128xf32, #tpu.memory_space<hbm>>
        tpu.wait_dma2 semaphore(%run_scoped3A : memref<!tpu.dma_semaphore, #tpu.memory_space<semaphore_mem>>) src(%arg7 : memref<128x128xf32, #tpu.memory_space<vmem>>) dst(%dma_wait3A_40 : memref<128x128xf32, #tpu.memory_space<hbm>>)
        tpu.yield
      }) : () -> ()
      %lt3A = arith.constant 15 : i32
      %lt3A_28 = arith.cmpi slt, %scan3A_10, %lt3A : i32
      %convert_element_type3A = arith.extui %lt3A_28 : i1 to i32
      %cond3A = arith.constant 0 : i32
      %cond3A_29 = arith.cmpi ne, %convert_element_type3A, %cond3A : i32
      scf.if %cond3A_29 {
        %mul3A_33 = arith.constant 2 : i32
        %mul3A_34 = arith.muli %mul3A_33, %scan3A_10 : i32
        %add3A_35 = arith.constant 2 : i32
        %add3A_36 = arith.addi %mul3A_34, %add3A_35 : i32
        %mul3A_37 = arith.constant 128 : i32
        %mul3A_38 = arith.muli %add3A_36, %mul3A_37 : i32
        %add3A_39 = arith.addi %mul3A_2, %mul3A_38 : i32
        "tpu.region"() ({
          %run_scoped3A = tpu.sem_alloc : memref<!tpu.dma_semaphore, #tpu.memory_space<semaphore_mem>>
          %dma_start3A_43 = tpu.memref_slice %arg3[%add3A_39] : memref<131072xi32, #tpu.memory_space<hbm>> -> memref<128xi32, #tpu.memory_space<hbm>>
          %dma_start3A_44 = tpu.memref_slice %arg3[%add3A_39] : memref<131072xi32, #tpu.memory_space<hbm>> -> memref<128xi32, #tpu.memory_space<hbm>>
          tpu.enqueue_dma source(%dma_start3A_44 : memref<128xi32, #tpu.memory_space<hbm>>) target(%arg5 : memref<128xi32, #tpu.memory_space<vmem>>) target_semaphore(%run_scoped3A : memref<!tpu.dma_semaphore, #tpu.memory_space<semaphore_mem>>)
          %dma_wait3A_45 = tpu.memref_slice %arg3[%add3A_39] : memref<131072xi32, #tpu.memory_space<hbm>> -> memref<128xi32, #tpu.memory_space<hbm>>
          %dma_wait3A_46 = tpu.memref_slice %arg3[%add3A_39] : memref<131072xi32, #tpu.memory_space<hbm>> -> memref<128xi32, #tpu.memory_space<hbm>>
          tpu.wait_dma2 semaphore(%run_scoped3A : memref<!tpu.dma_semaphore, #tpu.memory_space<semaphore_mem>>) src(%dma_wait3A_46 : memref<128xi32, #tpu.memory_space<hbm>>) dst(%arg5 : memref<128xi32, #tpu.memory_space<vmem>>)
          tpu.yield
        }) : () -> ()
        %dma_start3A_40 = arith.constant 0 : i32
        %dma_start3A_41 = arith.constant 0 : i32
        %dma_start3A_42 = tpu.memref_slice %arg2[%dma_start3A_40, %dma_start3A_41] : memref<8192x128xf32, #tpu.memory_space<hbm>> -> memref<8192x128xf32, #tpu.memory_space<hbm>>
        tpu.enqueue_indirect_dma source(%dma_start3A_42 : memref<8192x128xf32, #tpu.memory_space<hbm>>) target(%arg7 : memref<128x128xf32, #tpu.memory_space<vmem>>) offsets(%arg5 : memref<128xi32, #tpu.memory_space<vmem>>) semaphore(%arg9 : memref<!tpu.dma_semaphore, #tpu.memory_space<semaphore_mem>>)
      } else {
      }
      %dma_wait3A_30 = arith.constant 0 : i32
      %dma_wait3A_31 = arith.constant 0 : i32
      %dma_wait3A_32 = tpu.memref_slice %arg2[%dma_wait3A_30, %dma_wait3A_31] : memref<8192x128xf32, #tpu.memory_space<hbm>> -> memref<8192x128xf32, #tpu.memory_space<hbm>>
      tpu.wait_indirect_dma semaphore(%arg10 : memref<!tpu.dma_semaphore, #tpu.memory_space<semaphore_mem>>) src(%dma_wait3A_32 : memref<8192x128xf32, #tpu.memory_space<hbm>>) dst(%arg8 : memref<128x128xf32, #tpu.memory_space<vmem>>)
      "tpu.region"() ({
        %run_scoped3A = tpu.sem_alloc : memref<!tpu.dma_semaphore, #tpu.memory_space<semaphore_mem>>
        %dma_start3A_33 = arith.constant 0 : i32
        %dma_start3A_34 = tpu.memref_slice %arg4[%add3A_17, %dma_start3A_33] : memref<131072x128xf32, #tpu.memory_space<hbm>> -> memref<128x128xf32, #tpu.memory_space<hbm>>
        %dma_start3A_35 = arith.constant 0 : i32
        %dma_start3A_36 = tpu.memref_slice %arg4[%add3A_17, %dma_start3A_35] : memref<131072x128xf32, #tpu.memory_space<hbm>> -> memref<128x128xf32, #tpu.memory_space<hbm>>
        tpu.enqueue_dma source(%arg8 : memref<128x128xf32, #tpu.memory_space<vmem>>) target(%dma_start3A_36 : memref<128x128xf32, #tpu.memory_space<hbm>>) target_semaphore(%run_scoped3A : memref<!tpu.dma_semaphore, #tpu.memory_space<semaphore_mem>>)
        %dma_wait3A_37 = arith.constant 0 : i32
        %dma_wait3A_38 = tpu.memref_slice %arg4[%add3A_17, %dma_wait3A_37] : memref<131072x128xf32, #tpu.memory_space<hbm>> -> memref<128x128xf32, #tpu.memory_space<hbm>>
        %dma_wait3A_39 = arith.constant 0 : i32
        %dma_wait3A_40 = tpu.memref_slice %arg4[%add3A_17, %dma_wait3A_39] : memref<131072x128xf32, #tpu.memory_space<hbm>> -> memref<128x128xf32, #tpu.memory_space<hbm>>
        tpu.wait_dma2 semaphore(%run_scoped3A : memref<!tpu.dma_semaphore, #tpu.memory_space<semaphore_mem>>) src(%arg8 : memref<128x128xf32, #tpu.memory_space<vmem>>) dst(%dma_wait3A_40 : memref<128x128xf32, #tpu.memory_space<hbm>>)
        tpu.yield
      }) : () -> ()
    }
    %scan3A_9 = arith.constant 16 : i32
    return
  }
}

module attributes {stable_mosaic.version = 14 : i64} {
  func.func @_knn_body(%arg0: i32, %arg1: i32, %arg2: memref<1x512x8xf32, #tpu.memory_space<vmem>>, %arg3: memref<1x4096x8xf32, #tpu.memory_space<vmem>>, %arg4: memref<1x512x16xi32, #tpu.memory_space<vmem>>) attributes {dimension_semantics = [#tpu.dimension_semantics<arbitrary>, #tpu.dimension_semantics<arbitrary>], iteration_bounds = array<i64: 2, 8>, scalar_prefetch = 0 : i64, scratch_operands = 0 : i64, tpu.core_type = #tpu.core_type<tc>, window_params = [{transform_indices = @transform_0, window_bounds = array<i64: 1, 512, 8>}, {transform_indices = @transform_1, window_bounds = array<i64: 1, 4096, 8>}, {transform_indices = @transform_2, window_bounds = array<i64: 1, 512, 16>}]} {
    %get3A = arith.constant 0 : index
    %get3A_0 = arith.constant 0 : index
    %get3A_1 = arith.constant 0 : index
    %get3A_2 = vector.load %arg2[%get3A, %get3A_0, %get3A_1] : memref<1x512x8xf32, #tpu.memory_space<vmem>>, vector<1x512x8xf32>
    %get3A_3 = vector.shape_cast %get3A_2 : vector<1x512x8xf32> to vector<512x8xf32>
    %get3A_4 = arith.constant 0 : index
    %get3A_5 = arith.constant 0 : index
    %get3A_6 = arith.constant 0 : index
    %get3A_7 = vector.load %arg3[%get3A_4, %get3A_5, %get3A_6] : memref<1x4096x8xf32, #tpu.memory_space<vmem>>, vector<1x4096x8xf32>
    %get3A_8 = vector.shape_cast %get3A_7 : vector<1x4096x8xf32> to vector<4096x8xf32>
    %mul3A = arith.mulf %get3A_3, %get3A_3 : vector<512x8xf32>
    %reduce_sum3A = arith.constant dense<0.000000e+00> : vector<512xf32>
    %reduce_sum3A_9 = vector.multi_reduction <add>, %mul3A, %reduce_sum3A [1] : vector<512x8xf32> to vector<512xf32>
    %broadcast_in_dim3A = vector.shape_cast %reduce_sum3A_9 : vector<512xf32> to vector<512x1xf32>
    %mul3A_10 = arith.mulf %get3A_8, %get3A_8 : vector<4096x8xf32>
    %reduce_sum3A_11 = arith.constant dense<0.000000e+00> : vector<4096xf32>
    %reduce_sum3A_12 = vector.multi_reduction <add>, %mul3A_10, %reduce_sum3A_11 [1] : vector<4096x8xf32> to vector<4096xf32>
    %transpose3A = tpu.transpose %get3A_8, [1, 0] : vector<4096x8xf32> -> vector<8x4096xf32>
    %dot_general3A = arith.constant dense<0.000000e+00> : vector<512x4096xf32>
    %dot_general3A_13 = tpu.matmul %get3A_3, %transpose3A, %dot_general3A {dimension_numbers = #tpu.dot_dimension_numbers<[1], [0], [0], [1], [0, 0, 1, 1], [], []>, transpose_lhs_hint = false} : vector<512x8xf32>, vector<8x4096xf32>, vector<512x4096xf32> -> vector<512x4096xf32>
    %mul3A_14 = arith.constant 2.000000e+00 : f32
    %mul3A_15 = vector.broadcast %mul3A_14 : f32 to vector<512x4096xf32>
    %mul3A_16 = arith.mulf %mul3A_15, %dot_general3A_13 : vector<512x4096xf32>
    %sub3A = vector.broadcast %broadcast_in_dim3A : vector<512x1xf32> to vector<512x4096xf32>
    %sub3A_17 = arith.subf %sub3A, %mul3A_16 : vector<512x4096xf32>
    %broadcast_in_dim3A_18 = vector.shape_cast %reduce_sum3A_12 : vector<4096xf32> to vector<1x4096xf32>
    %add3A = vector.broadcast %broadcast_in_dim3A_18 : vector<1x4096xf32> to vector<512x4096xf32>
    %add3A_19 = arith.addf %sub3A_17, %add3A : vector<512x4096xf32>
    %mul3A_20 = arith.constant 4096 : i32
    %mul3A_21 = arith.muli %arg0, %mul3A_20 : i32
    %iota3A = tpu.iota {dimensions = array<i32: 1>} : vector<512x4096xi32>
    %reduce_min3A = arith.constant dense<0x7F800000> : vector<512xf32>
    %reduce_min3A_22 = vector.multi_reduction <minimumf>, %add3A_19, %reduce_min3A [1] : vector<512x4096xf32> to vector<512xf32>
    %broadcast_in_dim3A_23 = vector.shape_cast %reduce_min3A_22 : vector<512xf32> to vector<512x1xf32>
    %le3A = vector.broadcast %broadcast_in_dim3A_23 : vector<512x1xf32> to vector<512x4096xf32>
    %le3A_24 = arith.cmpf ole, %add3A_19, %le3A : vector<512x4096xf32>
    %jit3A = arith.constant 4096 : i32
    %broadcast_in_dim3A_25 = vector.broadcast %jit3A : i32 to vector<512x4096xi32>
    %select_n3A = arith.select %le3A_24, %iota3A, %broadcast_in_dim3A_25 : vector<512x4096xi1>, vector<512x4096xi32>
    %reduce_min3A_26 = arith.constant dense<2147483647> : vector<512xi32>
    %reduce_min3A_27 = vector.multi_reduction <minsi>, %select_n3A, %reduce_min3A_26 [1] : vector<512x4096xi32> to vector<512xi32>
    %add3A_28 = vector.broadcast %mul3A_21 : i32 to vector<512xi32>
    %add3A_29 = arith.addi %reduce_min3A_27, %add3A_28 : vector<512xi32>
    %broadcast_in_dim3A_30 = vector.shape_cast %add3A_29 : vector<512xi32> to vector<512x1xi32>
    %broadcast_in_dim3A_31 = vector.shape_cast %reduce_min3A_27 : vector<512xi32> to vector<512x1xi32>
    %eq3A = vector.broadcast %broadcast_in_dim3A_31 : vector<512x1xi32> to vector<512x4096xi32>
    %eq3A_32 = arith.cmpi eq, %iota3A, %eq3A : vector<512x4096xi32>
    %jit3A_33 = arith.constant 0x7F800000 : f32
    %broadcast_in_dim3A_34 = vector.broadcast %jit3A_33 : f32 to vector<512x4096xf32>
    %select_n3A_35 = arith.select %eq3A_32, %broadcast_in_dim3A_34, %add3A_19 : vector<512x4096xi1>, vector<512x4096xf32>
    %reduce_min3A_36 = arith.constant dense<0x7F800000> : vector<512xf32>
    %reduce_min3A_37 = vector.multi_reduction <minimumf>, %select_n3A_35, %reduce_min3A_36 [1] : vector<512x4096xf32> to vector<512xf32>
    %broadcast_in_dim3A_38 = vector.shape_cast %reduce_min3A_37 : vector<512xf32> to vector<512x1xf32>
    %le3A_39 = vector.broadcast %broadcast_in_dim3A_38 : vector<512x1xf32> to vector<512x4096xf32>
    %le3A_40 = arith.cmpf ole, %select_n3A_35, %le3A_39 : vector<512x4096xf32>
    %jit3A_41 = arith.constant 4096 : i32
    %broadcast_in_dim3A_42 = vector.broadcast %jit3A_41 : i32 to vector<512x4096xi32>
    %select_n3A_43 = arith.select %le3A_40, %iota3A, %broadcast_in_dim3A_42 : vector<512x4096xi1>, vector<512x4096xi32>
    %reduce_min3A_44 = arith.constant dense<2147483647> : vector<512xi32>
    %reduce_min3A_45 = vector.multi_reduction <minsi>, %select_n3A_43, %reduce_min3A_44 [1] : vector<512x4096xi32> to vector<512xi32>
    %add3A_46 = vector.broadcast %mul3A_21 : i32 to vector<512xi32>
    %add3A_47 = arith.addi %reduce_min3A_45, %add3A_46 : vector<512xi32>
    %broadcast_in_dim3A_48 = vector.shape_cast %add3A_47 : vector<512xi32> to vector<512x1xi32>
    %broadcast_in_dim3A_49 = vector.shape_cast %reduce_min3A_45 : vector<512xi32> to vector<512x1xi32>
    %eq3A_50 = vector.broadcast %broadcast_in_dim3A_49 : vector<512x1xi32> to vector<512x4096xi32>
    %eq3A_51 = arith.cmpi eq, %iota3A, %eq3A_50 : vector<512x4096xi32>
    %jit3A_52 = arith.constant 0x7F800000 : f32
    %broadcast_in_dim3A_53 = vector.broadcast %jit3A_52 : f32 to vector<512x4096xf32>
    %select_n3A_54 = arith.select %eq3A_51, %broadcast_in_dim3A_53, %select_n3A_35 : vector<512x4096xi1>, vector<512x4096xf32>
    %reduce_min3A_55 = arith.constant dense<0x7F800000> : vector<512xf32>
    %reduce_min3A_56 = vector.multi_reduction <minimumf>, %select_n3A_54, %reduce_min3A_55 [1] : vector<512x4096xf32> to vector<512xf32>
    %broadcast_in_dim3A_57 = vector.shape_cast %reduce_min3A_56 : vector<512xf32> to vector<512x1xf32>
    %le3A_58 = vector.broadcast %broadcast_in_dim3A_57 : vector<512x1xf32> to vector<512x4096xf32>
    %le3A_59 = arith.cmpf ole, %select_n3A_54, %le3A_58 : vector<512x4096xf32>
    %jit3A_60 = arith.constant 4096 : i32
    %broadcast_in_dim3A_61 = vector.broadcast %jit3A_60 : i32 to vector<512x4096xi32>
    %select_n3A_62 = arith.select %le3A_59, %iota3A, %broadcast_in_dim3A_61 : vector<512x4096xi1>, vector<512x4096xi32>
    %reduce_min3A_63 = arith.constant dense<2147483647> : vector<512xi32>
    %reduce_min3A_64 = vector.multi_reduction <minsi>, %select_n3A_62, %reduce_min3A_63 [1] : vector<512x4096xi32> to vector<512xi32>
    %add3A_65 = vector.broadcast %mul3A_21 : i32 to vector<512xi32>
    %add3A_66 = arith.addi %reduce_min3A_64, %add3A_65 : vector<512xi32>
    %broadcast_in_dim3A_67 = vector.shape_cast %add3A_66 : vector<512xi32> to vector<512x1xi32>
    %broadcast_in_dim3A_68 = vector.shape_cast %reduce_min3A_64 : vector<512xi32> to vector<512x1xi32>
    %eq3A_69 = vector.broadcast %broadcast_in_dim3A_68 : vector<512x1xi32> to vector<512x4096xi32>
    %eq3A_70 = arith.cmpi eq, %iota3A, %eq3A_69 : vector<512x4096xi32>
    %jit3A_71 = arith.constant 0x7F800000 : f32
    %broadcast_in_dim3A_72 = vector.broadcast %jit3A_71 : f32 to vector<512x4096xf32>
    %select_n3A_73 = arith.select %eq3A_70, %broadcast_in_dim3A_72, %select_n3A_54 : vector<512x4096xi1>, vector<512x4096xf32>
    %reduce_min3A_74 = arith.constant dense<0x7F800000> : vector<512xf32>
    %reduce_min3A_75 = vector.multi_reduction <minimumf>, %select_n3A_73, %reduce_min3A_74 [1] : vector<512x4096xf32> to vector<512xf32>
    %broadcast_in_dim3A_76 = vector.shape_cast %reduce_min3A_75 : vector<512xf32> to vector<512x1xf32>
    %le3A_77 = vector.broadcast %broadcast_in_dim3A_76 : vector<512x1xf32> to vector<512x4096xf32>
    %le3A_78 = arith.cmpf ole, %select_n3A_73, %le3A_77 : vector<512x4096xf32>
    %jit3A_79 = arith.constant 4096 : i32
    %broadcast_in_dim3A_80 = vector.broadcast %jit3A_79 : i32 to vector<512x4096xi32>
    %select_n3A_81 = arith.select %le3A_78, %iota3A, %broadcast_in_dim3A_80 : vector<512x4096xi1>, vector<512x4096xi32>
    %reduce_min3A_82 = arith.constant dense<2147483647> : vector<512xi32>
    %reduce_min3A_83 = vector.multi_reduction <minsi>, %select_n3A_81, %reduce_min3A_82 [1] : vector<512x4096xi32> to vector<512xi32>
    %add3A_84 = vector.broadcast %mul3A_21 : i32 to vector<512xi32>
    %add3A_85 = arith.addi %reduce_min3A_83, %add3A_84 : vector<512xi32>
    %broadcast_in_dim3A_86 = vector.shape_cast %add3A_85 : vector<512xi32> to vector<512x1xi32>
    %broadcast_in_dim3A_87 = vector.shape_cast %reduce_min3A_83 : vector<512xi32> to vector<512x1xi32>
    %eq3A_88 = vector.broadcast %broadcast_in_dim3A_87 : vector<512x1xi32> to vector<512x4096xi32>
    %eq3A_89 = arith.cmpi eq, %iota3A, %eq3A_88 : vector<512x4096xi32>
    %jit3A_90 = arith.constant 0x7F800000 : f32
    %broadcast_in_dim3A_91 = vector.broadcast %jit3A_90 : f32 to vector<512x4096xf32>
    %select_n3A_92 = arith.select %eq3A_89, %broadcast_in_dim3A_91, %select_n3A_73 : vector<512x4096xi1>, vector<512x4096xf32>
    %reduce_min3A_93 = arith.constant dense<0x7F800000> : vector<512xf32>
    %reduce_min3A_94 = vector.multi_reduction <minimumf>, %select_n3A_92, %reduce_min3A_93 [1] : vector<512x4096xf32> to vector<512xf32>
    %broadcast_in_dim3A_95 = vector.shape_cast %reduce_min3A_94 : vector<512xf32> to vector<512x1xf32>
    %le3A_96 = vector.broadcast %broadcast_in_dim3A_95 : vector<512x1xf32> to vector<512x4096xf32>
    %le3A_97 = arith.cmpf ole, %select_n3A_92, %le3A_96 : vector<512x4096xf32>
    %jit3A_98 = arith.constant 4096 : i32
    %broadcast_in_dim3A_99 = vector.broadcast %jit3A_98 : i32 to vector<512x4096xi32>
    %select_n3A_100 = arith.select %le3A_97, %iota3A, %broadcast_in_dim3A_99 : vector<512x4096xi1>, vector<512x4096xi32>
    %reduce_min3A_101 = arith.constant dense<2147483647> : vector<512xi32>
    %reduce_min3A_102 = vector.multi_reduction <minsi>, %select_n3A_100, %reduce_min3A_101 [1] : vector<512x4096xi32> to vector<512xi32>
    %add3A_103 = vector.broadcast %mul3A_21 : i32 to vector<512xi32>
    %add3A_104 = arith.addi %reduce_min3A_102, %add3A_103 : vector<512xi32>
    %broadcast_in_dim3A_105 = vector.shape_cast %add3A_104 : vector<512xi32> to vector<512x1xi32>
    %broadcast_in_dim3A_106 = vector.shape_cast %reduce_min3A_102 : vector<512xi32> to vector<512x1xi32>
    %eq3A_107 = vector.broadcast %broadcast_in_dim3A_106 : vector<512x1xi32> to vector<512x4096xi32>
    %eq3A_108 = arith.cmpi eq, %iota3A, %eq3A_107 : vector<512x4096xi32>
    %jit3A_109 = arith.constant 0x7F800000 : f32
    %broadcast_in_dim3A_110 = vector.broadcast %jit3A_109 : f32 to vector<512x4096xf32>
    %select_n3A_111 = arith.select %eq3A_108, %broadcast_in_dim3A_110, %select_n3A_92 : vector<512x4096xi1>, vector<512x4096xf32>
    %reduce_min3A_112 = arith.constant dense<0x7F800000> : vector<512xf32>
    %reduce_min3A_113 = vector.multi_reduction <minimumf>, %select_n3A_111, %reduce_min3A_112 [1] : vector<512x4096xf32> to vector<512xf32>
    %broadcast_in_dim3A_114 = vector.shape_cast %reduce_min3A_113 : vector<512xf32> to vector<512x1xf32>
    %le3A_115 = vector.broadcast %broadcast_in_dim3A_114 : vector<512x1xf32> to vector<512x4096xf32>
    %le3A_116 = arith.cmpf ole, %select_n3A_111, %le3A_115 : vector<512x4096xf32>
    %jit3A_117 = arith.constant 4096 : i32
    %broadcast_in_dim3A_118 = vector.broadcast %jit3A_117 : i32 to vector<512x4096xi32>
    %select_n3A_119 = arith.select %le3A_116, %iota3A, %broadcast_in_dim3A_118 : vector<512x4096xi1>, vector<512x4096xi32>
    %reduce_min3A_120 = arith.constant dense<2147483647> : vector<512xi32>
    %reduce_min3A_121 = vector.multi_reduction <minsi>, %select_n3A_119, %reduce_min3A_120 [1] : vector<512x4096xi32> to vector<512xi32>
    %add3A_122 = vector.broadcast %mul3A_21 : i32 to vector<512xi32>
    %add3A_123 = arith.addi %reduce_min3A_121, %add3A_122 : vector<512xi32>
    %broadcast_in_dim3A_124 = vector.shape_cast %add3A_123 : vector<512xi32> to vector<512x1xi32>
    %broadcast_in_dim3A_125 = vector.shape_cast %reduce_min3A_121 : vector<512xi32> to vector<512x1xi32>
    %eq3A_126 = vector.broadcast %broadcast_in_dim3A_125 : vector<512x1xi32> to vector<512x4096xi32>
    %eq3A_127 = arith.cmpi eq, %iota3A, %eq3A_126 : vector<512x4096xi32>
    %jit3A_128 = arith.constant 0x7F800000 : f32
    %broadcast_in_dim3A_129 = vector.broadcast %jit3A_128 : f32 to vector<512x4096xf32>
    %select_n3A_130 = arith.select %eq3A_127, %broadcast_in_dim3A_129, %select_n3A_111 : vector<512x4096xi1>, vector<512x4096xf32>
    %reduce_min3A_131 = arith.constant dense<0x7F800000> : vector<512xf32>
    %reduce_min3A_132 = vector.multi_reduction <minimumf>, %select_n3A_130, %reduce_min3A_131 [1] : vector<512x4096xf32> to vector<512xf32>
    %broadcast_in_dim3A_133 = vector.shape_cast %reduce_min3A_132 : vector<512xf32> to vector<512x1xf32>
    %le3A_134 = vector.broadcast %broadcast_in_dim3A_133 : vector<512x1xf32> to vector<512x4096xf32>
    %le3A_135 = arith.cmpf ole, %select_n3A_130, %le3A_134 : vector<512x4096xf32>
    %jit3A_136 = arith.constant 4096 : i32
    %broadcast_in_dim3A_137 = vector.broadcast %jit3A_136 : i32 to vector<512x4096xi32>
    %select_n3A_138 = arith.select %le3A_135, %iota3A, %broadcast_in_dim3A_137 : vector<512x4096xi1>, vector<512x4096xi32>
    %reduce_min3A_139 = arith.constant dense<2147483647> : vector<512xi32>
    %reduce_min3A_140 = vector.multi_reduction <minsi>, %select_n3A_138, %reduce_min3A_139 [1] : vector<512x4096xi32> to vector<512xi32>
    %add3A_141 = vector.broadcast %mul3A_21 : i32 to vector<512xi32>
    %add3A_142 = arith.addi %reduce_min3A_140, %add3A_141 : vector<512xi32>
    %broadcast_in_dim3A_143 = vector.shape_cast %add3A_142 : vector<512xi32> to vector<512x1xi32>
    %broadcast_in_dim3A_144 = vector.shape_cast %reduce_min3A_140 : vector<512xi32> to vector<512x1xi32>
    %eq3A_145 = vector.broadcast %broadcast_in_dim3A_144 : vector<512x1xi32> to vector<512x4096xi32>
    %eq3A_146 = arith.cmpi eq, %iota3A, %eq3A_145 : vector<512x4096xi32>
    %jit3A_147 = arith.constant 0x7F800000 : f32
    %broadcast_in_dim3A_148 = vector.broadcast %jit3A_147 : f32 to vector<512x4096xf32>
    %select_n3A_149 = arith.select %eq3A_146, %broadcast_in_dim3A_148, %select_n3A_130 : vector<512x4096xi1>, vector<512x4096xf32>
    %reduce_min3A_150 = arith.constant dense<0x7F800000> : vector<512xf32>
    %reduce_min3A_151 = vector.multi_reduction <minimumf>, %select_n3A_149, %reduce_min3A_150 [1] : vector<512x4096xf32> to vector<512xf32>
    %broadcast_in_dim3A_152 = vector.shape_cast %reduce_min3A_151 : vector<512xf32> to vector<512x1xf32>
    %le3A_153 = vector.broadcast %broadcast_in_dim3A_152 : vector<512x1xf32> to vector<512x4096xf32>
    %le3A_154 = arith.cmpf ole, %select_n3A_149, %le3A_153 : vector<512x4096xf32>
    %jit3A_155 = arith.constant 4096 : i32
    %broadcast_in_dim3A_156 = vector.broadcast %jit3A_155 : i32 to vector<512x4096xi32>
    %select_n3A_157 = arith.select %le3A_154, %iota3A, %broadcast_in_dim3A_156 : vector<512x4096xi1>, vector<512x4096xi32>
    %reduce_min3A_158 = arith.constant dense<2147483647> : vector<512xi32>
    %reduce_min3A_159 = vector.multi_reduction <minsi>, %select_n3A_157, %reduce_min3A_158 [1] : vector<512x4096xi32> to vector<512xi32>
    %add3A_160 = vector.broadcast %mul3A_21 : i32 to vector<512xi32>
    %add3A_161 = arith.addi %reduce_min3A_159, %add3A_160 : vector<512xi32>
    %broadcast_in_dim3A_162 = vector.shape_cast %add3A_161 : vector<512xi32> to vector<512x1xi32>
    %broadcast_in_dim3A_163 = vector.shape_cast %reduce_min3A_159 : vector<512xi32> to vector<512x1xi32>
    %eq3A_164 = vector.broadcast %broadcast_in_dim3A_163 : vector<512x1xi32> to vector<512x4096xi32>
    %eq3A_165 = arith.cmpi eq, %iota3A, %eq3A_164 : vector<512x4096xi32>
    %jit3A_166 = arith.constant 0x7F800000 : f32
    %broadcast_in_dim3A_167 = vector.broadcast %jit3A_166 : f32 to vector<512x4096xf32>
    %select_n3A_168 = arith.select %eq3A_165, %broadcast_in_dim3A_167, %select_n3A_149 : vector<512x4096xi1>, vector<512x4096xf32>
    %reduce_min3A_169 = arith.constant dense<0x7F800000> : vector<512xf32>
    %reduce_min3A_170 = vector.multi_reduction <minimumf>, %select_n3A_168, %reduce_min3A_169 [1] : vector<512x4096xf32> to vector<512xf32>
    %broadcast_in_dim3A_171 = vector.shape_cast %reduce_min3A_170 : vector<512xf32> to vector<512x1xf32>
    %le3A_172 = vector.broadcast %broadcast_in_dim3A_171 : vector<512x1xf32> to vector<512x4096xf32>
    %le3A_173 = arith.cmpf ole, %select_n3A_168, %le3A_172 : vector<512x4096xf32>
    %jit3A_174 = arith.constant 4096 : i32
    %broadcast_in_dim3A_175 = vector.broadcast %jit3A_174 : i32 to vector<512x4096xi32>
    %select_n3A_176 = arith.select %le3A_173, %iota3A, %broadcast_in_dim3A_175 : vector<512x4096xi1>, vector<512x4096xi32>
    %reduce_min3A_177 = arith.constant dense<2147483647> : vector<512xi32>
    %reduce_min3A_178 = vector.multi_reduction <minsi>, %select_n3A_176, %reduce_min3A_177 [1] : vector<512x4096xi32> to vector<512xi32>
    %add3A_179 = vector.broadcast %mul3A_21 : i32 to vector<512xi32>
    %add3A_180 = arith.addi %reduce_min3A_178, %add3A_179 : vector<512xi32>
    %broadcast_in_dim3A_181 = vector.shape_cast %add3A_180 : vector<512xi32> to vector<512x1xi32>
    %broadcast_in_dim3A_182 = vector.shape_cast %reduce_min3A_178 : vector<512xi32> to vector<512x1xi32>
    %eq3A_183 = vector.broadcast %broadcast_in_dim3A_182 : vector<512x1xi32> to vector<512x4096xi32>
    %eq3A_184 = arith.cmpi eq, %iota3A, %eq3A_183 : vector<512x4096xi32>
    %jit3A_185 = arith.constant 0x7F800000 : f32
    %broadcast_in_dim3A_186 = vector.broadcast %jit3A_185 : f32 to vector<512x4096xf32>
    %select_n3A_187 = arith.select %eq3A_184, %broadcast_in_dim3A_186, %select_n3A_168 : vector<512x4096xi1>, vector<512x4096xf32>
    %reduce_min3A_188 = arith.constant dense<0x7F800000> : vector<512xf32>
    %reduce_min3A_189 = vector.multi_reduction <minimumf>, %select_n3A_187, %reduce_min3A_188 [1] : vector<512x4096xf32> to vector<512xf32>
    %broadcast_in_dim3A_190 = vector.shape_cast %reduce_min3A_189 : vector<512xf32> to vector<512x1xf32>
    %le3A_191 = vector.broadcast %broadcast_in_dim3A_190 : vector<512x1xf32> to vector<512x4096xf32>
    %le3A_192 = arith.cmpf ole, %select_n3A_187, %le3A_191 : vector<512x4096xf32>
    %jit3A_193 = arith.constant 4096 : i32
    %broadcast_in_dim3A_194 = vector.broadcast %jit3A_193 : i32 to vector<512x4096xi32>
    %select_n3A_195 = arith.select %le3A_192, %iota3A, %broadcast_in_dim3A_194 : vector<512x4096xi1>, vector<512x4096xi32>
    %reduce_min3A_196 = arith.constant dense<2147483647> : vector<512xi32>
    %reduce_min3A_197 = vector.multi_reduction <minsi>, %select_n3A_195, %reduce_min3A_196 [1] : vector<512x4096xi32> to vector<512xi32>
    %add3A_198 = vector.broadcast %mul3A_21 : i32 to vector<512xi32>
    %add3A_199 = arith.addi %reduce_min3A_197, %add3A_198 : vector<512xi32>
    %broadcast_in_dim3A_200 = vector.shape_cast %add3A_199 : vector<512xi32> to vector<512x1xi32>
    %broadcast_in_dim3A_201 = vector.shape_cast %reduce_min3A_197 : vector<512xi32> to vector<512x1xi32>
    %eq3A_202 = vector.broadcast %broadcast_in_dim3A_201 : vector<512x1xi32> to vector<512x4096xi32>
    %eq3A_203 = arith.cmpi eq, %iota3A, %eq3A_202 : vector<512x4096xi32>
    %jit3A_204 = arith.constant 0x7F800000 : f32
    %broadcast_in_dim3A_205 = vector.broadcast %jit3A_204 : f32 to vector<512x4096xf32>
    %select_n3A_206 = arith.select %eq3A_203, %broadcast_in_dim3A_205, %select_n3A_187 : vector<512x4096xi1>, vector<512x4096xf32>
    %reduce_min3A_207 = arith.constant dense<0x7F800000> : vector<512xf32>
    %reduce_min3A_208 = vector.multi_reduction <minimumf>, %select_n3A_206, %reduce_min3A_207 [1] : vector<512x4096xf32> to vector<512xf32>
    %broadcast_in_dim3A_209 = vector.shape_cast %reduce_min3A_208 : vector<512xf32> to vector<512x1xf32>
    %le3A_210 = vector.broadcast %broadcast_in_dim3A_209 : vector<512x1xf32> to vector<512x4096xf32>
    %le3A_211 = arith.cmpf ole, %select_n3A_206, %le3A_210 : vector<512x4096xf32>
    %jit3A_212 = arith.constant 4096 : i32
    %broadcast_in_dim3A_213 = vector.broadcast %jit3A_212 : i32 to vector<512x4096xi32>
    %select_n3A_214 = arith.select %le3A_211, %iota3A, %broadcast_in_dim3A_213 : vector<512x4096xi1>, vector<512x4096xi32>
    %reduce_min3A_215 = arith.constant dense<2147483647> : vector<512xi32>
    %reduce_min3A_216 = vector.multi_reduction <minsi>, %select_n3A_214, %reduce_min3A_215 [1] : vector<512x4096xi32> to vector<512xi32>
    %add3A_217 = vector.broadcast %mul3A_21 : i32 to vector<512xi32>
    %add3A_218 = arith.addi %reduce_min3A_216, %add3A_217 : vector<512xi32>
    %broadcast_in_dim3A_219 = vector.shape_cast %add3A_218 : vector<512xi32> to vector<512x1xi32>
    %broadcast_in_dim3A_220 = vector.shape_cast %reduce_min3A_216 : vector<512xi32> to vector<512x1xi32>
    %eq3A_221 = vector.broadcast %broadcast_in_dim3A_220 : vector<512x1xi32> to vector<512x4096xi32>
    %eq3A_222 = arith.cmpi eq, %iota3A, %eq3A_221 : vector<512x4096xi32>
    %jit3A_223 = arith.constant 0x7F800000 : f32
    %broadcast_in_dim3A_224 = vector.broadcast %jit3A_223 : f32 to vector<512x4096xf32>
    %select_n3A_225 = arith.select %eq3A_222, %broadcast_in_dim3A_224, %select_n3A_206 : vector<512x4096xi1>, vector<512x4096xf32>
    %reduce_min3A_226 = arith.constant dense<0x7F800000> : vector<512xf32>
    %reduce_min3A_227 = vector.multi_reduction <minimumf>, %select_n3A_225, %reduce_min3A_226 [1] : vector<512x4096xf32> to vector<512xf32>
    %broadcast_in_dim3A_228 = vector.shape_cast %reduce_min3A_227 : vector<512xf32> to vector<512x1xf32>
    %le3A_229 = vector.broadcast %broadcast_in_dim3A_228 : vector<512x1xf32> to vector<512x4096xf32>
    %le3A_230 = arith.cmpf ole, %select_n3A_225, %le3A_229 : vector<512x4096xf32>
    %jit3A_231 = arith.constant 4096 : i32
    %broadcast_in_dim3A_232 = vector.broadcast %jit3A_231 : i32 to vector<512x4096xi32>
    %select_n3A_233 = arith.select %le3A_230, %iota3A, %broadcast_in_dim3A_232 : vector<512x4096xi1>, vector<512x4096xi32>
    %reduce_min3A_234 = arith.constant dense<2147483647> : vector<512xi32>
    %reduce_min3A_235 = vector.multi_reduction <minsi>, %select_n3A_233, %reduce_min3A_234 [1] : vector<512x4096xi32> to vector<512xi32>
    %add3A_236 = vector.broadcast %mul3A_21 : i32 to vector<512xi32>
    %add3A_237 = arith.addi %reduce_min3A_235, %add3A_236 : vector<512xi32>
    %broadcast_in_dim3A_238 = vector.shape_cast %add3A_237 : vector<512xi32> to vector<512x1xi32>
    %broadcast_in_dim3A_239 = vector.shape_cast %reduce_min3A_235 : vector<512xi32> to vector<512x1xi32>
    %eq3A_240 = vector.broadcast %broadcast_in_dim3A_239 : vector<512x1xi32> to vector<512x4096xi32>
    %eq3A_241 = arith.cmpi eq, %iota3A, %eq3A_240 : vector<512x4096xi32>
    %jit3A_242 = arith.constant 0x7F800000 : f32
    %broadcast_in_dim3A_243 = vector.broadcast %jit3A_242 : f32 to vector<512x4096xf32>
    %select_n3A_244 = arith.select %eq3A_241, %broadcast_in_dim3A_243, %select_n3A_225 : vector<512x4096xi1>, vector<512x4096xf32>
    %reduce_min3A_245 = arith.constant dense<0x7F800000> : vector<512xf32>
    %reduce_min3A_246 = vector.multi_reduction <minimumf>, %select_n3A_244, %reduce_min3A_245 [1] : vector<512x4096xf32> to vector<512xf32>
    %broadcast_in_dim3A_247 = vector.shape_cast %reduce_min3A_246 : vector<512xf32> to vector<512x1xf32>
    %le3A_248 = vector.broadcast %broadcast_in_dim3A_247 : vector<512x1xf32> to vector<512x4096xf32>
    %le3A_249 = arith.cmpf ole, %select_n3A_244, %le3A_248 : vector<512x4096xf32>
    %jit3A_250 = arith.constant 4096 : i32
    %broadcast_in_dim3A_251 = vector.broadcast %jit3A_250 : i32 to vector<512x4096xi32>
    %select_n3A_252 = arith.select %le3A_249, %iota3A, %broadcast_in_dim3A_251 : vector<512x4096xi1>, vector<512x4096xi32>
    %reduce_min3A_253 = arith.constant dense<2147483647> : vector<512xi32>
    %reduce_min3A_254 = vector.multi_reduction <minsi>, %select_n3A_252, %reduce_min3A_253 [1] : vector<512x4096xi32> to vector<512xi32>
    %add3A_255 = vector.broadcast %mul3A_21 : i32 to vector<512xi32>
    %add3A_256 = arith.addi %reduce_min3A_254, %add3A_255 : vector<512xi32>
    %broadcast_in_dim3A_257 = vector.shape_cast %add3A_256 : vector<512xi32> to vector<512x1xi32>
    %broadcast_in_dim3A_258 = vector.shape_cast %reduce_min3A_254 : vector<512xi32> to vector<512x1xi32>
    %eq3A_259 = vector.broadcast %broadcast_in_dim3A_258 : vector<512x1xi32> to vector<512x4096xi32>
    %eq3A_260 = arith.cmpi eq, %iota3A, %eq3A_259 : vector<512x4096xi32>
    %jit3A_261 = arith.constant 0x7F800000 : f32
    %broadcast_in_dim3A_262 = vector.broadcast %jit3A_261 : f32 to vector<512x4096xf32>
    %select_n3A_263 = arith.select %eq3A_260, %broadcast_in_dim3A_262, %select_n3A_244 : vector<512x4096xi1>, vector<512x4096xf32>
    %reduce_min3A_264 = arith.constant dense<0x7F800000> : vector<512xf32>
    %reduce_min3A_265 = vector.multi_reduction <minimumf>, %select_n3A_263, %reduce_min3A_264 [1] : vector<512x4096xf32> to vector<512xf32>
    %broadcast_in_dim3A_266 = vector.shape_cast %reduce_min3A_265 : vector<512xf32> to vector<512x1xf32>
    %le3A_267 = vector.broadcast %broadcast_in_dim3A_266 : vector<512x1xf32> to vector<512x4096xf32>
    %le3A_268 = arith.cmpf ole, %select_n3A_263, %le3A_267 : vector<512x4096xf32>
    %jit3A_269 = arith.constant 4096 : i32
    %broadcast_in_dim3A_270 = vector.broadcast %jit3A_269 : i32 to vector<512x4096xi32>
    %select_n3A_271 = arith.select %le3A_268, %iota3A, %broadcast_in_dim3A_270 : vector<512x4096xi1>, vector<512x4096xi32>
    %reduce_min3A_272 = arith.constant dense<2147483647> : vector<512xi32>
    %reduce_min3A_273 = vector.multi_reduction <minsi>, %select_n3A_271, %reduce_min3A_272 [1] : vector<512x4096xi32> to vector<512xi32>
    %add3A_274 = vector.broadcast %mul3A_21 : i32 to vector<512xi32>
    %add3A_275 = arith.addi %reduce_min3A_273, %add3A_274 : vector<512xi32>
    %broadcast_in_dim3A_276 = vector.shape_cast %add3A_275 : vector<512xi32> to vector<512x1xi32>
    %broadcast_in_dim3A_277 = vector.shape_cast %reduce_min3A_273 : vector<512xi32> to vector<512x1xi32>
    %eq3A_278 = vector.broadcast %broadcast_in_dim3A_277 : vector<512x1xi32> to vector<512x4096xi32>
    %eq3A_279 = arith.cmpi eq, %iota3A, %eq3A_278 : vector<512x4096xi32>
    %jit3A_280 = arith.constant 0x7F800000 : f32
    %broadcast_in_dim3A_281 = vector.broadcast %jit3A_280 : f32 to vector<512x4096xf32>
    %select_n3A_282 = arith.select %eq3A_279, %broadcast_in_dim3A_281, %select_n3A_263 : vector<512x4096xi1>, vector<512x4096xf32>
    %reduce_min3A_283 = arith.constant dense<0x7F800000> : vector<512xf32>
    %reduce_min3A_284 = vector.multi_reduction <minimumf>, %select_n3A_282, %reduce_min3A_283 [1] : vector<512x4096xf32> to vector<512xf32>
    %broadcast_in_dim3A_285 = vector.shape_cast %reduce_min3A_284 : vector<512xf32> to vector<512x1xf32>
    %le3A_286 = vector.broadcast %broadcast_in_dim3A_285 : vector<512x1xf32> to vector<512x4096xf32>
    %le3A_287 = arith.cmpf ole, %select_n3A_282, %le3A_286 : vector<512x4096xf32>
    %jit3A_288 = arith.constant 4096 : i32
    %broadcast_in_dim3A_289 = vector.broadcast %jit3A_288 : i32 to vector<512x4096xi32>
    %select_n3A_290 = arith.select %le3A_287, %iota3A, %broadcast_in_dim3A_289 : vector<512x4096xi1>, vector<512x4096xi32>
    %reduce_min3A_291 = arith.constant dense<2147483647> : vector<512xi32>
    %reduce_min3A_292 = vector.multi_reduction <minsi>, %select_n3A_290, %reduce_min3A_291 [1] : vector<512x4096xi32> to vector<512xi32>
    %add3A_293 = vector.broadcast %mul3A_21 : i32 to vector<512xi32>
    %add3A_294 = arith.addi %reduce_min3A_292, %add3A_293 : vector<512xi32>
    %broadcast_in_dim3A_295 = vector.shape_cast %add3A_294 : vector<512xi32> to vector<512x1xi32>
    %broadcast_in_dim3A_296 = vector.shape_cast %reduce_min3A_292 : vector<512xi32> to vector<512x1xi32>
    %eq3A_297 = vector.broadcast %broadcast_in_dim3A_296 : vector<512x1xi32> to vector<512x4096xi32>
    %eq3A_298 = arith.cmpi eq, %iota3A, %eq3A_297 : vector<512x4096xi32>
    %jit3A_299 = arith.constant 0x7F800000 : f32
    %broadcast_in_dim3A_300 = vector.broadcast %jit3A_299 : f32 to vector<512x4096xf32>
    %select_n3A_301 = arith.select %eq3A_298, %broadcast_in_dim3A_300, %select_n3A_282 : vector<512x4096xi1>, vector<512x4096xf32>
    %reduce_min3A_302 = arith.constant dense<0x7F800000> : vector<512xf32>
    %reduce_min3A_303 = vector.multi_reduction <minimumf>, %select_n3A_301, %reduce_min3A_302 [1] : vector<512x4096xf32> to vector<512xf32>
    %broadcast_in_dim3A_304 = vector.shape_cast %reduce_min3A_303 : vector<512xf32> to vector<512x1xf32>
    %le3A_305 = vector.broadcast %broadcast_in_dim3A_304 : vector<512x1xf32> to vector<512x4096xf32>
    %le3A_306 = arith.cmpf ole, %select_n3A_301, %le3A_305 : vector<512x4096xf32>
    %jit3A_307 = arith.constant 4096 : i32
    %broadcast_in_dim3A_308 = vector.broadcast %jit3A_307 : i32 to vector<512x4096xi32>
    %select_n3A_309 = arith.select %le3A_306, %iota3A, %broadcast_in_dim3A_308 : vector<512x4096xi1>, vector<512x4096xi32>
    %reduce_min3A_310 = arith.constant dense<2147483647> : vector<512xi32>
    %reduce_min3A_311 = vector.multi_reduction <minsi>, %select_n3A_309, %reduce_min3A_310 [1] : vector<512x4096xi32> to vector<512xi32>
    %add3A_312 = vector.broadcast %mul3A_21 : i32 to vector<512xi32>
    %add3A_313 = arith.addi %reduce_min3A_311, %add3A_312 : vector<512xi32>
    %broadcast_in_dim3A_314 = vector.shape_cast %add3A_313 : vector<512xi32> to vector<512x1xi32>
    %concatenate3A = tpu.concatenate %broadcast_in_dim3A_30, %broadcast_in_dim3A_48, %broadcast_in_dim3A_67, %broadcast_in_dim3A_86, %broadcast_in_dim3A_105, %broadcast_in_dim3A_124, %broadcast_in_dim3A_143, %broadcast_in_dim3A_162, %broadcast_in_dim3A_181, %broadcast_in_dim3A_200, %broadcast_in_dim3A_219, %broadcast_in_dim3A_238, %broadcast_in_dim3A_257, %broadcast_in_dim3A_276, %broadcast_in_dim3A_295, %broadcast_in_dim3A_314 in 1 : vector<512x1xi32>, vector<512x1xi32>, vector<512x1xi32>, vector<512x1xi32>, vector<512x1xi32>, vector<512x1xi32>, vector<512x1xi32>, vector<512x1xi32>, vector<512x1xi32>, vector<512x1xi32>, vector<512x1xi32>, vector<512x1xi32>, vector<512x1xi32>, vector<512x1xi32>, vector<512x1xi32>, vector<512x1xi32> -> vector<512x16xi32>
    %swap3A = arith.constant 0 : index
    %swap3A_315 = arith.constant 0 : index
    %swap3A_316 = arith.constant 0 : index
    %swap3A_317 = vector.load %arg4[%swap3A, %swap3A_315, %swap3A_316] : memref<1x512x16xi32, #tpu.memory_space<vmem>>, vector<1x512x16xi32>
    %swap3A_318 = vector.shape_cast %swap3A_317 : vector<1x512x16xi32> to vector<512x16xi32>
    %swap3A_319 = vector.shape_cast %concatenate3A : vector<512x16xi32> to vector<1x512x16xi32>
    tpu.vector_store %arg4[%swap3A, %swap3A_315, %swap3A_316], %swap3A_319 {strides = array<i32>} : memref<1x512x16xi32, #tpu.memory_space<vmem>>, vector<1x512x16xi32>,
    return
  }
  func.func @transform_0(%arg0: i32, %arg1: i32) -> (i32, i32, i32) {
    %c0_i32 = arith.constant 0 : i32
    %c0_i32_0 = arith.constant 0 : i32
    return %arg0, %arg1, %c0_i32 : i32, i32, i32
  }
  func.func @transform_1(%arg0: i32, %arg1: i32) -> (i32, i32, i32) {
    %c0_i32 = arith.constant 0 : i32
    %c0_i32_0 = arith.constant 0 : i32
    %c0_i32_1 = arith.constant 0 : i32
    return %arg0, %c0_i32, %c0_i32_0 : i32, i32, i32
  }
  func.func @transform_2(%arg0: i32, %arg1: i32) -> (i32, i32, i32) {
    %c0_i32 = arith.constant 0 : i32
    %c0_i32_0 = arith.constant 0 : i32
    return %arg0, %arg1, %c0_i32 : i32, i32, i32
  }
}

module attributes {stable_mosaic.version = 14 : i64} {
  func.func @_tab1_body(%arg0: i32, %arg1: memref<1024x64xf32, #tpu.memory_space<vmem>>, %arg2: memref<1024x64xf32, #tpu.memory_space<vmem>>, %arg3: memref<1024x16xf32, #tpu.memory_space<vmem>>, %arg4: memref<1024x128xf32, #tpu.memory_space<vmem>>) attributes {dimension_semantics = [#tpu.dimension_semantics<arbitrary>], iteration_bounds = array<i64: 8>, scalar_prefetch = 0 : i64, scratch_operands = 0 : i64, tpu.core_type = #tpu.core_type<tc>, window_params = [{transform_indices = @transform_0, window_bounds = array<i64: 1024, 64>}, {transform_indices = @transform_1, window_bounds = array<i64: 1024, 64>}, {transform_indices = @transform_2, window_bounds = array<i64: 1024, 16>}, {transform_indices = @transform_3, window_bounds = array<i64: 1024, 128>}]} {
    %get3A = arith.constant 0 : index
    %get3A_0 = arith.constant 0 : index
    %get3A_1 = vector.load %arg1[%get3A, %get3A_0] : memref<1024x64xf32, #tpu.memory_space<vmem>>, vector<1024x64xf32>
    %get3A_2 = arith.constant 0 : index
    %get3A_3 = arith.constant 0 : index
    %get3A_4 = vector.load %arg2[%get3A_2, %get3A_3] : memref<1024x64xf32, #tpu.memory_space<vmem>>, vector<1024x64xf32>
    %sub3A = arith.subf %get3A_1, %get3A_4 : vector<1024x64xf32>
    %broadcast_in_dim3A = arith.constant 0.000000e+00 : f32
    %broadcast_in_dim3A_5 = vector.broadcast %broadcast_in_dim3A : f32 to vector<1024x48xf32>
    %get3A_6 = arith.constant 0 : index
    %get3A_7 = arith.constant 0 : index
    %get3A_8 = vector.load %arg3[%get3A_6, %get3A_7] : memref<1024x16xf32, #tpu.memory_space<vmem>>, vector<1024x16xf32>
    %concatenate3A = tpu.concatenate %sub3A, %get3A_8, %broadcast_in_dim3A_5 in 1 : vector<1024x64xf32>, vector<1024x16xf32>, vector<1024x48xf32> -> vector<1024x128xf32>
    %swap3A = arith.constant 0 : index
    %swap3A_9 = arith.constant 0 : index
    %swap3A_10 = vector.load %arg4[%swap3A, %swap3A_9] : memref<1024x128xf32, #tpu.memory_space<vmem>>, vector<1024x128xf32>
    tpu.vector_store %arg4[%swap3A, %swap3A_9], %concatenate3A {strides = array<i32>} : memref<1024x128xf32, #tpu.memory_space<vmem>>, vector<1024x128xf32>,
    return
  }
  func.func @transform_0(%arg0: i32) -> (i32, i32) {
    %c0_i32 = arith.constant 0 : i32
    %c0_i32_0 = arith.constant 0 : i32
    return %arg0, %c0_i32 : i32, i32
  }
  func.func @transform_1(%arg0: i32) -> (i32, i32) {
    %c0_i32 = arith.constant 0 : i32
    %c0_i32_0 = arith.constant 0 : i32
    return %arg0, %c0_i32 : i32, i32
  }
  func.func @transform_2(%arg0: i32) -> (i32, i32) {
    %c0_i32 = arith.constant 0 : i32
    %c0_i32_0 = arith.constant 0 : i32
    return %arg0, %c0_i32 : i32, i32
  }
  func.func @transform_3(%arg0: i32) -> (i32, i32) {
    %c0_i32 = arith.constant 0 : i32
    %c0_i32_0 = arith.constant 0 : i32
    return %arg0, %c0_i32 : i32, i32
  }
}

module attributes {stable_mosaic.version = 14 : i64} {
  func.func @_pc_body(%arg0: i32, %arg1: memref<4096x128xf32, #tpu.memory_space<vmem>>, %arg2: memref<256x16xf32, #tpu.memory_space<vmem>>, %arg3: memref<16x16xf32, #tpu.memory_space<vmem>>, %arg4: memref<1x16xf32, #tpu.memory_space<vmem>>, %arg5: memref<1024x64xf32, #tpu.memory_space<vmem>>, %arg6: memref<1x64xf32, #tpu.memory_space<vmem>>, %arg7: memref<256x64xf32, #tpu.memory_space<vmem>>, %arg8: memref<4096x16xf32, #tpu.memory_space<vmem>>, %arg9: memref<1x1x64xf32, #tpu.memory_space<vmem>>, %arg10: memref<1x1x64xf32, #tpu.memory_space<vmem>>) attributes {dimension_semantics = [#tpu.dimension_semantics<arbitrary>], iteration_bounds = array<i64: 32>, scalar_prefetch = 0 : i64, scratch_operands = 0 : i64, tpu.core_type = #tpu.core_type<tc>, window_params = [{transform_indices = @transform_0, window_bounds = array<i64: 4096, 128>}, {transform_indices = @transform_1, window_bounds = array<i64: 256, 16>}, {pipeline_mode = #tpu.pipeline_mode<synchronous>, transform_indices = @transform_2, window_bounds = array<i64: 16, 16>}, {pipeline_mode = #tpu.pipeline_mode<synchronous>, transform_indices = @transform_3, window_bounds = array<i64: 1, 16>}, {pipeline_mode = #tpu.pipeline_mode<synchronous>, transform_indices = @transform_4, window_bounds = array<i64: 1024, 64>}, {pipeline_mode = #tpu.pipeline_mode<synchronous>, transform_indices = @transform_5, window_bounds = array<i64: 1, 64>}, {transform_indices = @transform_6, window_bounds = array<i64: 256, 64>}, {transform_indices = @transform_7, window_bounds = array<i64: 4096, 16>}, {transform_indices = @transform_8, window_bounds = array<i64: 1, 1, 64>}, {transform_indices = @transform_9, window_bounds = array<i64: 1, 1, 64>}]} {
    %get3A = arith.constant 0 : index
    %get3A_0 = arith.constant 0 : index
    %get3A_1 = vector.load %arg1[%get3A, %get3A_0] : memref<4096x128xf32, #tpu.memory_space<vmem>>, vector<4096x128xf32>
    %slice3A = vector.extract_strided_slice %get3A_1 {offsets = [0, 0], sizes = [4096, 64], strides = [1, 1]} : vector<4096x128xf32> to vector<4096x64xf32>
    %slice3A_2 = vector.extract_strided_slice %get3A_1 {offsets = [0, 64], sizes = [4096, 16], strides = [1, 1]} : vector<4096x128xf32> to vector<4096x16xf32>
    %get3A_3 = arith.constant 0 : index
    %get3A_4 = arith.constant 0 : index
    %get3A_5 = vector.load %arg2[%get3A_3, %get3A_4] : memref<256x16xf32, #tpu.memory_space<vmem>>, vector<256x16xf32>
    %broadcast_in_dim3A = vector.shape_cast %get3A_5 : vector<256x16xf32> to vector<256x1x16xf32>
    %broadcast_in_dim3A_6 = vector.shape_cast %broadcast_in_dim3A : vector<256x1x16xf32> to vector<256x1x16xf32>
    %broadcast_in_dim3A_7 = vector.broadcast %broadcast_in_dim3A_6 : vector<256x1x16xf32> to vector<256x16x16xf32>
    %reshape3A = vector.shape_cast %broadcast_in_dim3A_7 : vector<256x16x16xf32> to vector<4096x16xf32>
    %sub3A = arith.subf %slice3A_2, %reshape3A : vector<4096x16xf32>
    %swap3A = arith.constant 0 : index
    %swap3A_8 = arith.constant 0 : index
    %swap3A_9 = vector.load %arg8[%swap3A, %swap3A_8] : memref<4096x16xf32, #tpu.memory_space<vmem>>, vector<4096x16xf32>
    tpu.vector_store %arg8[%swap3A, %swap3A_8], %sub3A {strides = array<i32>} : memref<4096x16xf32, #tpu.memory_space<vmem>>, vector<4096x16xf32>,
    %get3A_10 = arith.constant 0 : index
    %get3A_11 = arith.constant 0 : index
    %get3A_12 = vector.load %arg3[%get3A_10, %get3A_11] : memref<16x16xf32, #tpu.memory_space<vmem>>, vector<16x16xf32>
    %dot_general3A = arith.constant dense<0.000000e+00> : vector<4096x16xf32>
    %dot_general3A_13 = tpu.matmul %sub3A, %get3A_12, %dot_general3A {dimension_numbers = #tpu.dot_dimension_numbers<[1], [0], [0], [1], [0, 0, 1, 1], [], []>, transpose_lhs_hint = false} : vector<4096x16xf32>, vector<16x16xf32>, vector<4096x16xf32> -> vector<4096x16xf32>
    %get3A_14 = arith.constant 0 : index
    %get3A_15 = arith.constant 0 : index
    %get3A_16 = vector.load %arg4[%get3A_14, %get3A_15] : memref<1x16xf32, #tpu.memory_space<vmem>>, vector<1x16xf32>
    %add3A = vector.broadcast %get3A_16 : vector<1x16xf32> to vector<4096x16xf32>
    %add3A_17 = arith.addf %dot_general3A_13, %add3A : vector<4096x16xf32>
    %max3A = arith.constant 0.000000e+00 : f32
    %max3A_18 = vector.broadcast %max3A : f32 to vector<4096x16xf32>
    %max3A_19 = arith.maximumf %add3A_17, %max3A_18 : vector<4096x16xf32>
    %get3A_20 = arith.constant 0 : index
    %get3A_21 = arith.constant 0 : index
    %get3A_22 = vector.load %arg6[%get3A_20, %get3A_21] : memref<1x64xf32, #tpu.memory_space<vmem>>, vector<1x64xf32>
    %broadcast_in_dim3A_23 = vector.shape_cast %get3A_22 : vector<1x64xf32> to vector<1x64xf32>
    %broadcast_in_dim3A_24 = vector.broadcast %broadcast_in_dim3A_23 : vector<1x64xf32> to vector<256x64xf32>
    %slice3A_25 = vector.extract_strided_slice %max3A_19 {offsets = [0, 0], sizes = [4096, 1], strides = [1, 1]} : vector<4096x16xf32> to vector<4096x1xf32>
    %mul3A = vector.broadcast %slice3A_25 : vector<4096x1xf32> to vector<4096x64xf32>
    %mul3A_26 = arith.mulf %mul3A, %slice3A : vector<4096x64xf32>
    %reshape3A_27 = vector.shape_cast %mul3A_26 : vector<4096x64xf32> to vector<256x16x64xf32>
    %reduce_sum3A = arith.constant dense<0.000000e+00> : vector<256x64xf32>
    %reduce_sum3A_28 = vector.multi_reduction <add>, %reshape3A_27, %reduce_sum3A [1] : vector<256x16x64xf32> to vector<256x64xf32>
    %get3A_29 = arith.constant 0 : index
    %get3A_30 = arith.constant 0 : index
    %get3A_31 = vector.load %arg5[%get3A_29, %get3A_30] : memref<1024x64xf32, #tpu.memory_space<vmem>>, vector<64x64xf32>
    %dot_general3A_32 = arith.constant dense<0.000000e+00> : vector<256x64xf32>
    %dot_general3A_33 = tpu.matmul %reduce_sum3A_28, %get3A_31, %dot_general3A_32 {dimension_numbers = #tpu.dot_dimension_numbers<[1], [0], [0], [1], [0, 0, 1, 1], [], []>, transpose_lhs_hint = false} : vector<256x64xf32>, vector<64x64xf32>, vector<256x64xf32> -> vector<256x64xf32>
    %add3A_34 = arith.addf %broadcast_in_dim3A_24, %dot_general3A_33 : vector<256x64xf32>
    %slice3A_35 = vector.extract_strided_slice %max3A_19 {offsets = [0, 1], sizes = [4096, 1], strides = [1, 1]} : vector<4096x16xf32> to vector<4096x1xf32>
    %mul3A_36 = vector.broadcast %slice3A_35 : vector<4096x1xf32> to vector<4096x64xf32>
    %mul3A_37 = arith.mulf %mul3A_36, %slice3A : vector<4096x64xf32>
    %reshape3A_38 = vector.shape_cast %mul3A_37 : vector<4096x64xf32> to vector<256x16x64xf32>
    %reduce_sum3A_39 = arith.constant dense<0.000000e+00> : vector<256x64xf32>
    %reduce_sum3A_40 = vector.multi_reduction <add>, %reshape3A_38, %reduce_sum3A_39 [1] : vector<256x16x64xf32> to vector<256x64xf32>
    %get3A_41 = arith.constant 64 : index
    %get3A_42 = arith.constant 0 : index
    %get3A_43 = vector.load %arg5[%get3A_41, %get3A_42] : memref<1024x64xf32, #tpu.memory_space<vmem>>, vector<64x64xf32>
    %dot_general3A_44 = arith.constant dense<0.000000e+00> : vector<256x64xf32>
    %dot_general3A_45 = tpu.matmul %reduce_sum3A_40, %get3A_43, %dot_general3A_44 {dimension_numbers = #tpu.dot_dimension_numbers<[1], [0], [0], [1], [0, 0, 1, 1], [], []>, transpose_lhs_hint = false} : vector<256x64xf32>, vector<64x64xf32>, vector<256x64xf32> -> vector<256x64xf32>
    %add3A_46 = arith.addf %add3A_34, %dot_general3A_45 : vector<256x64xf32>
    %slice3A_47 = vector.extract_strided_slice %max3A_19 {offsets = [0, 2], sizes = [4096, 1], strides = [1, 1]} : vector<4096x16xf32> to vector<4096x1xf32>
    %mul3A_48 = vector.broadcast %slice3A_47 : vector<4096x1xf32> to vector<4096x64xf32>
    %mul3A_49 = arith.mulf %mul3A_48, %slice3A : vector<4096x64xf32>
    %reshape3A_50 = vector.shape_cast %mul3A_49 : vector<4096x64xf32> to vector<256x16x64xf32>
    %reduce_sum3A_51 = arith.constant dense<0.000000e+00> : vector<256x64xf32>
    %reduce_sum3A_52 = vector.multi_reduction <add>, %reshape3A_50, %reduce_sum3A_51 [1] : vector<256x16x64xf32> to vector<256x64xf32>
    %get3A_53 = arith.constant 128 : index
    %get3A_54 = arith.constant 0 : index
    %get3A_55 = vector.load %arg5[%get3A_53, %get3A_54] : memref<1024x64xf32, #tpu.memory_space<vmem>>, vector<64x64xf32>
    %dot_general3A_56 = arith.constant dense<0.000000e+00> : vector<256x64xf32>
    %dot_general3A_57 = tpu.matmul %reduce_sum3A_52, %get3A_55, %dot_general3A_56 {dimension_numbers = #tpu.dot_dimension_numbers<[1], [0], [0], [1], [0, 0, 1, 1], [], []>, transpose_lhs_hint = false} : vector<256x64xf32>, vector<64x64xf32>, vector<256x64xf32> -> vector<256x64xf32>
    %add3A_58 = arith.addf %add3A_46, %dot_general3A_57 : vector<256x64xf32>
    %slice3A_59 = vector.extract_strided_slice %max3A_19 {offsets = [0, 3], sizes = [4096, 1], strides = [1, 1]} : vector<4096x16xf32> to vector<4096x1xf32>
    %mul3A_60 = vector.broadcast %slice3A_59 : vector<4096x1xf32> to vector<4096x64xf32>
    %mul3A_61 = arith.mulf %mul3A_60, %slice3A : vector<4096x64xf32>
    %reshape3A_62 = vector.shape_cast %mul3A_61 : vector<4096x64xf32> to vector<256x16x64xf32>
    %reduce_sum3A_63 = arith.constant dense<0.000000e+00> : vector<256x64xf32>
    %reduce_sum3A_64 = vector.multi_reduction <add>, %reshape3A_62, %reduce_sum3A_63 [1] : vector<256x16x64xf32> to vector<256x64xf32>
    %get3A_65 = arith.constant 192 : index
    %get3A_66 = arith.constant 0 : index
    %get3A_67 = vector.load %arg5[%get3A_65, %get3A_66] : memref<1024x64xf32, #tpu.memory_space<vmem>>, vector<64x64xf32>
    %dot_general3A_68 = arith.constant dense<0.000000e+00> : vector<256x64xf32>
    %dot_general3A_69 = tpu.matmul %reduce_sum3A_64, %get3A_67, %dot_general3A_68 {dimension_numbers = #tpu.dot_dimension_numbers<[1], [0], [0], [1], [0, 0, 1, 1], [], []>, transpose_lhs_hint = false} : vector<256x64xf32>, vector<64x64xf32>, vector<256x64xf32> -> vector<256x64xf32>
    %add3A_70 = arith.addf %add3A_58, %dot_general3A_69 : vector<256x64xf32>
    %slice3A_71 = vector.extract_strided_slice %max3A_19 {offsets = [0, 4], sizes = [4096, 1], strides = [1, 1]} : vector<4096x16xf32> to vector<4096x1xf32>
    %mul3A_72 = vector.broadcast %slice3A_71 : vector<4096x1xf32> to vector<4096x64xf32>
    %mul3A_73 = arith.mulf %mul3A_72, %slice3A : vector<4096x64xf32>
    %reshape3A_74 = vector.shape_cast %mul3A_73 : vector<4096x64xf32> to vector<256x16x64xf32>
    %reduce_sum3A_75 = arith.constant dense<0.000000e+00> : vector<256x64xf32>
    %reduce_sum3A_76 = vector.multi_reduction <add>, %reshape3A_74, %reduce_sum3A_75 [1] : vector<256x16x64xf32> to vector<256x64xf32>
    %get3A_77 = arith.constant 256 : index
    %get3A_78 = arith.constant 0 : index
    %get3A_79 = vector.load %arg5[%get3A_77, %get3A_78] : memref<1024x64xf32, #tpu.memory_space<vmem>>, vector<64x64xf32>
    %dot_general3A_80 = arith.constant dense<0.000000e+00> : vector<256x64xf32>
    %dot_general3A_81 = tpu.matmul %reduce_sum3A_76, %get3A_79, %dot_general3A_80 {dimension_numbers = #tpu.dot_dimension_numbers<[1], [0], [0], [1], [0, 0, 1, 1], [], []>, transpose_lhs_hint = false} : vector<256x64xf32>, vector<64x64xf32>, vector<256x64xf32> -> vector<256x64xf32>
    %add3A_82 = arith.addf %add3A_70, %dot_general3A_81 : vector<256x64xf32>
    %slice3A_83 = vector.extract_strided_slice %max3A_19 {offsets = [0, 5], sizes = [4096, 1], strides = [1, 1]} : vector<4096x16xf32> to vector<4096x1xf32>
    %mul3A_84 = vector.broadcast %slice3A_83 : vector<4096x1xf32> to vector<4096x64xf32>
    %mul3A_85 = arith.mulf %mul3A_84, %slice3A : vector<4096x64xf32>
    %reshape3A_86 = vector.shape_cast %mul3A_85 : vector<4096x64xf32> to vector<256x16x64xf32>
    %reduce_sum3A_87 = arith.constant dense<0.000000e+00> : vector<256x64xf32>
    %reduce_sum3A_88 = vector.multi_reduction <add>, %reshape3A_86, %reduce_sum3A_87 [1] : vector<256x16x64xf32> to vector<256x64xf32>
    %get3A_89 = arith.constant 320 : index
    %get3A_90 = arith.constant 0 : index
    %get3A_91 = vector.load %arg5[%get3A_89, %get3A_90] : memref<1024x64xf32, #tpu.memory_space<vmem>>, vector<64x64xf32>
    %dot_general3A_92 = arith.constant dense<0.000000e+00> : vector<256x64xf32>
    %dot_general3A_93 = tpu.matmul %reduce_sum3A_88, %get3A_91, %dot_general3A_92 {dimension_numbers = #tpu.dot_dimension_numbers<[1], [0], [0], [1], [0, 0, 1, 1], [], []>, transpose_lhs_hint = false} : vector<256x64xf32>, vector<64x64xf32>, vector<256x64xf32> -> vector<256x64xf32>
    %add3A_94 = arith.addf %add3A_82, %dot_general3A_93 : vector<256x64xf32>
    %slice3A_95 = vector.extract_strided_slice %max3A_19 {offsets = [0, 6], sizes = [4096, 1], strides = [1, 1]} : vector<4096x16xf32> to vector<4096x1xf32>
    %mul3A_96 = vector.broadcast %slice3A_95 : vector<4096x1xf32> to vector<4096x64xf32>
    %mul3A_97 = arith.mulf %mul3A_96, %slice3A : vector<4096x64xf32>
    %reshape3A_98 = vector.shape_cast %mul3A_97 : vector<4096x64xf32> to vector<256x16x64xf32>
    %reduce_sum3A_99 = arith.constant dense<0.000000e+00> : vector<256x64xf32>
    %reduce_sum3A_100 = vector.multi_reduction <add>, %reshape3A_98, %reduce_sum3A_99 [1] : vector<256x16x64xf32> to vector<256x64xf32>
    %get3A_101 = arith.constant 384 : index
    %get3A_102 = arith.constant 0 : index
    %get3A_103 = vector.load %arg5[%get3A_101, %get3A_102] : memref<1024x64xf32, #tpu.memory_space<vmem>>, vector<64x64xf32>
    %dot_general3A_104 = arith.constant dense<0.000000e+00> : vector<256x64xf32>
    %dot_general3A_105 = tpu.matmul %reduce_sum3A_100, %get3A_103, %dot_general3A_104 {dimension_numbers = #tpu.dot_dimension_numbers<[1], [0], [0], [1], [0, 0, 1, 1], [], []>, transpose_lhs_hint = false} : vector<256x64xf32>, vector<64x64xf32>, vector<256x64xf32> -> vector<256x64xf32>
    %add3A_106 = arith.addf %add3A_94, %dot_general3A_105 : vector<256x64xf32>
    %slice3A_107 = vector.extract_strided_slice %max3A_19 {offsets = [0, 7], sizes = [4096, 1], strides = [1, 1]} : vector<4096x16xf32> to vector<4096x1xf32>
    %mul3A_108 = vector.broadcast %slice3A_107 : vector<4096x1xf32> to vector<4096x64xf32>
    %mul3A_109 = arith.mulf %mul3A_108, %slice3A : vector<4096x64xf32>
    %reshape3A_110 = vector.shape_cast %mul3A_109 : vector<4096x64xf32> to vector<256x16x64xf32>
    %reduce_sum3A_111 = arith.constant dense<0.000000e+00> : vector<256x64xf32>
    %reduce_sum3A_112 = vector.multi_reduction <add>, %reshape3A_110, %reduce_sum3A_111 [1] : vector<256x16x64xf32> to vector<256x64xf32>
    %get3A_113 = arith.constant 448 : index
    %get3A_114 = arith.constant 0 : index
    %get3A_115 = vector.load %arg5[%get3A_113, %get3A_114] : memref<1024x64xf32, #tpu.memory_space<vmem>>, vector<64x64xf32>
    %dot_general3A_116 = arith.constant dense<0.000000e+00> : vector<256x64xf32>
    %dot_general3A_117 = tpu.matmul %reduce_sum3A_112, %get3A_115, %dot_general3A_116 {dimension_numbers = #tpu.dot_dimension_numbers<[1], [0], [0], [1], [0, 0, 1, 1], [], []>, transpose_lhs_hint = false} : vector<256x64xf32>, vector<64x64xf32>, vector<256x64xf32> -> vector<256x64xf32>
    %add3A_118 = arith.addf %add3A_106, %dot_general3A_117 : vector<256x64xf32>
    %slice3A_119 = vector.extract_strided_slice %max3A_19 {offsets = [0, 8], sizes = [4096, 1], strides = [1, 1]} : vector<4096x16xf32> to vector<4096x1xf32>
    %mul3A_120 = vector.broadcast %slice3A_119 : vector<4096x1xf32> to vector<4096x64xf32>
    %mul3A_121 = arith.mulf %mul3A_120, %slice3A : vector<4096x64xf32>
    %reshape3A_122 = vector.shape_cast %mul3A_121 : vector<4096x64xf32> to vector<256x16x64xf32>
    %reduce_sum3A_123 = arith.constant dense<0.000000e+00> : vector<256x64xf32>
    %reduce_sum3A_124 = vector.multi_reduction <add>, %reshape3A_122, %reduce_sum3A_123 [1] : vector<256x16x64xf32> to vector<256x64xf32>
    %get3A_125 = arith.constant 512 : index
    %get3A_126 = arith.constant 0 : index
    %get3A_127 = vector.load %arg5[%get3A_125, %get3A_126] : memref<1024x64xf32, #tpu.memory_space<vmem>>, vector<64x64xf32>
    %dot_general3A_128 = arith.constant dense<0.000000e+00> : vector<256x64xf32>
    %dot_general3A_129 = tpu.matmul %reduce_sum3A_124, %get3A_127, %dot_general3A_128 {dimension_numbers = #tpu.dot_dimension_numbers<[1], [0], [0], [1], [0, 0, 1, 1], [], []>, transpose_lhs_hint = false} : vector<256x64xf32>, vector<64x64xf32>, vector<256x64xf32> -> vector<256x64xf32>
    %add3A_130 = arith.addf %add3A_118, %dot_general3A_129 : vector<256x64xf32>
    %slice3A_131 = vector.extract_strided_slice %max3A_19 {offsets = [0, 9], sizes = [4096, 1], strides = [1, 1]} : vector<4096x16xf32> to vector<4096x1xf32>
    %mul3A_132 = vector.broadcast %slice3A_131 : vector<4096x1xf32> to vector<4096x64xf32>
    %mul3A_133 = arith.mulf %mul3A_132, %slice3A : vector<4096x64xf32>
    %reshape3A_134 = vector.shape_cast %mul3A_133 : vector<4096x64xf32> to vector<256x16x64xf32>
    %reduce_sum3A_135 = arith.constant dense<0.000000e+00> : vector<256x64xf32>
    %reduce_sum3A_136 = vector.multi_reduction <add>, %reshape3A_134, %reduce_sum3A_135 [1] : vector<256x16x64xf32> to vector<256x64xf32>
    %get3A_137 = arith.constant 576 : index
    %get3A_138 = arith.constant 0 : index
    %get3A_139 = vector.load %arg5[%get3A_137, %get3A_138] : memref<1024x64xf32, #tpu.memory_space<vmem>>, vector<64x64xf32>
    %dot_general3A_140 = arith.constant dense<0.000000e+00> : vector<256x64xf32>
    %dot_general3A_141 = tpu.matmul %reduce_sum3A_136, %get3A_139, %dot_general3A_140 {dimension_numbers = #tpu.dot_dimension_numbers<[1], [0], [0], [1], [0, 0, 1, 1], [], []>, transpose_lhs_hint = false} : vector<256x64xf32>, vector<64x64xf32>, vector<256x64xf32> -> vector<256x64xf32>
    %add3A_142 = arith.addf %add3A_130, %dot_general3A_141 : vector<256x64xf32>
    %slice3A_143 = vector.extract_strided_slice %max3A_19 {offsets = [0, 10], sizes = [4096, 1], strides = [1, 1]} : vector<4096x16xf32> to vector<4096x1xf32>
    %mul3A_144 = vector.broadcast %slice3A_143 : vector<4096x1xf32> to vector<4096x64xf32>
    %mul3A_145 = arith.mulf %mul3A_144, %slice3A : vector<4096x64xf32>
    %reshape3A_146 = vector.shape_cast %mul3A_145 : vector<4096x64xf32> to vector<256x16x64xf32>
    %reduce_sum3A_147 = arith.constant dense<0.000000e+00> : vector<256x64xf32>
    %reduce_sum3A_148 = vector.multi_reduction <add>, %reshape3A_146, %reduce_sum3A_147 [1] : vector<256x16x64xf32> to vector<256x64xf32>
    %get3A_149 = arith.constant 640 : index
    %get3A_150 = arith.constant 0 : index
    %get3A_151 = vector.load %arg5[%get3A_149, %get3A_150] : memref<1024x64xf32, #tpu.memory_space<vmem>>, vector<64x64xf32>
    %dot_general3A_152 = arith.constant dense<0.000000e+00> : vector<256x64xf32>
    %dot_general3A_153 = tpu.matmul %reduce_sum3A_148, %get3A_151, %dot_general3A_152 {dimension_numbers = #tpu.dot_dimension_numbers<[1], [0], [0], [1], [0, 0, 1, 1], [], []>, transpose_lhs_hint = false} : vector<256x64xf32>, vector<64x64xf32>, vector<256x64xf32> -> vector<256x64xf32>
    %add3A_154 = arith.addf %add3A_142, %dot_general3A_153 : vector<256x64xf32>
    %slice3A_155 = vector.extract_strided_slice %max3A_19 {offsets = [0, 11], sizes = [4096, 1], strides = [1, 1]} : vector<4096x16xf32> to vector<4096x1xf32>
    %mul3A_156 = vector.broadcast %slice3A_155 : vector<4096x1xf32> to vector<4096x64xf32>
    %mul3A_157 = arith.mulf %mul3A_156, %slice3A : vector<4096x64xf32>
    %reshape3A_158 = vector.shape_cast %mul3A_157 : vector<4096x64xf32> to vector<256x16x64xf32>
    %reduce_sum3A_159 = arith.constant dense<0.000000e+00> : vector<256x64xf32>
    %reduce_sum3A_160 = vector.multi_reduction <add>, %reshape3A_158, %reduce_sum3A_159 [1] : vector<256x16x64xf32> to vector<256x64xf32>
    %get3A_161 = arith.constant 704 : index
    %get3A_162 = arith.constant 0 : index
    %get3A_163 = vector.load %arg5[%get3A_161, %get3A_162] : memref<1024x64xf32, #tpu.memory_space<vmem>>, vector<64x64xf32>
    %dot_general3A_164 = arith.constant dense<0.000000e+00> : vector<256x64xf32>
    %dot_general3A_165 = tpu.matmul %reduce_sum3A_160, %get3A_163, %dot_general3A_164 {dimension_numbers = #tpu.dot_dimension_numbers<[1], [0], [0], [1], [0, 0, 1, 1], [], []>, transpose_lhs_hint = false} : vector<256x64xf32>, vector<64x64xf32>, vector<256x64xf32> -> vector<256x64xf32>
    %add3A_166 = arith.addf %add3A_154, %dot_general3A_165 : vector<256x64xf32>
    %slice3A_167 = vector.extract_strided_slice %max3A_19 {offsets = [0, 12], sizes = [4096, 1], strides = [1, 1]} : vector<4096x16xf32> to vector<4096x1xf32>
    %mul3A_168 = vector.broadcast %slice3A_167 : vector<4096x1xf32> to vector<4096x64xf32>
    %mul3A_169 = arith.mulf %mul3A_168, %slice3A : vector<4096x64xf32>
    %reshape3A_170 = vector.shape_cast %mul3A_169 : vector<4096x64xf32> to vector<256x16x64xf32>
    %reduce_sum3A_171 = arith.constant dense<0.000000e+00> : vector<256x64xf32>
    %reduce_sum3A_172 = vector.multi_reduction <add>, %reshape3A_170, %reduce_sum3A_171 [1] : vector<256x16x64xf32> to vector<256x64xf32>
    %get3A_173 = arith.constant 768 : index
    %get3A_174 = arith.constant 0 : index
    %get3A_175 = vector.load %arg5[%get3A_173, %get3A_174] : memref<1024x64xf32, #tpu.memory_space<vmem>>, vector<64x64xf32>
    %dot_general3A_176 = arith.constant dense<0.000000e+00> : vector<256x64xf32>
    %dot_general3A_177 = tpu.matmul %reduce_sum3A_172, %get3A_175, %dot_general3A_176 {dimension_numbers = #tpu.dot_dimension_numbers<[1], [0], [0], [1], [0, 0, 1, 1], [], []>, transpose_lhs_hint = false} : vector<256x64xf32>, vector<64x64xf32>, vector<256x64xf32> -> vector<256x64xf32>
    %add3A_178 = arith.addf %add3A_166, %dot_general3A_177 : vector<256x64xf32>
    %slice3A_179 = vector.extract_strided_slice %max3A_19 {offsets = [0, 13], sizes = [4096, 1], strides = [1, 1]} : vector<4096x16xf32> to vector<4096x1xf32>
    %mul3A_180 = vector.broadcast %slice3A_179 : vector<4096x1xf32> to vector<4096x64xf32>
    %mul3A_181 = arith.mulf %mul3A_180, %slice3A : vector<4096x64xf32>
    %reshape3A_182 = vector.shape_cast %mul3A_181 : vector<4096x64xf32> to vector<256x16x64xf32>
    %reduce_sum3A_183 = arith.constant dense<0.000000e+00> : vector<256x64xf32>
    %reduce_sum3A_184 = vector.multi_reduction <add>, %reshape3A_182, %reduce_sum3A_183 [1] : vector<256x16x64xf32> to vector<256x64xf32>
    %get3A_185 = arith.constant 832 : index
    %get3A_186 = arith.constant 0 : index
    %get3A_187 = vector.load %arg5[%get3A_185, %get3A_186] : memref<1024x64xf32, #tpu.memory_space<vmem>>, vector<64x64xf32>
    %dot_general3A_188 = arith.constant dense<0.000000e+00> : vector<256x64xf32>
    %dot_general3A_189 = tpu.matmul %reduce_sum3A_184, %get3A_187, %dot_general3A_188 {dimension_numbers = #tpu.dot_dimension_numbers<[1], [0], [0], [1], [0, 0, 1, 1], [], []>, transpose_lhs_hint = false} : vector<256x64xf32>, vector<64x64xf32>, vector<256x64xf32> -> vector<256x64xf32>
    %add3A_190 = arith.addf %add3A_178, %dot_general3A_189 : vector<256x64xf32>
    %slice3A_191 = vector.extract_strided_slice %max3A_19 {offsets = [0, 14], sizes = [4096, 1], strides = [1, 1]} : vector<4096x16xf32> to vector<4096x1xf32>
    %mul3A_192 = vector.broadcast %slice3A_191 : vector<4096x1xf32> to vector<4096x64xf32>
    %mul3A_193 = arith.mulf %mul3A_192, %slice3A : vector<4096x64xf32>
    %reshape3A_194 = vector.shape_cast %mul3A_193 : vector<4096x64xf32> to vector<256x16x64xf32>
    %reduce_sum3A_195 = arith.constant dense<0.000000e+00> : vector<256x64xf32>
    %reduce_sum3A_196 = vector.multi_reduction <add>, %reshape3A_194, %reduce_sum3A_195 [1] : vector<256x16x64xf32> to vector<256x64xf32>
    %get3A_197 = arith.constant 896 : index
    %get3A_198 = arith.constant 0 : index
    %get3A_199 = vector.load %arg5[%get3A_197, %get3A_198] : memref<1024x64xf32, #tpu.memory_space<vmem>>, vector<64x64xf32>
    %dot_general3A_200 = arith.constant dense<0.000000e+00> : vector<256x64xf32>
    %dot_general3A_201 = tpu.matmul %reduce_sum3A_196, %get3A_199, %dot_general3A_200 {dimension_numbers = #tpu.dot_dimension_numbers<[1], [0], [0], [1], [0, 0, 1, 1], [], []>, transpose_lhs_hint = false} : vector<256x64xf32>, vector<64x64xf32>, vector<256x64xf32> -> vector<256x64xf32>
    %add3A_202 = arith.addf %add3A_190, %dot_general3A_201 : vector<256x64xf32>
    %slice3A_203 = vector.extract_strided_slice %max3A_19 {offsets = [0, 15], sizes = [4096, 1], strides = [1, 1]} : vector<4096x16xf32> to vector<4096x1xf32>
    %mul3A_204 = vector.broadcast %slice3A_203 : vector<4096x1xf32> to vector<4096x64xf32>
    %mul3A_205 = arith.mulf %mul3A_204, %slice3A : vector<4096x64xf32>
    %reshape3A_206 = vector.shape_cast %mul3A_205 : vector<4096x64xf32> to vector<256x16x64xf32>
    %reduce_sum3A_207 = arith.constant dense<0.000000e+00> : vector<256x64xf32>
    %reduce_sum3A_208 = vector.multi_reduction <add>, %reshape3A_206, %reduce_sum3A_207 [1] : vector<256x16x64xf32> to vector<256x64xf32>
    %get3A_209 = arith.constant 960 : index
    %get3A_210 = arith.constant 0 : index
    %get3A_211 = vector.load %arg5[%get3A_209, %get3A_210] : memref<1024x64xf32, #tpu.memory_space<vmem>>, vector<64x64xf32>
    %dot_general3A_212 = arith.constant dense<0.000000e+00> : vector<256x64xf32>
    %dot_general3A_213 = tpu.matmul %reduce_sum3A_208, %get3A_211, %dot_general3A_212 {dimension_numbers = #tpu.dot_dimension_numbers<[1], [0], [0], [1], [0, 0, 1, 1], [], []>, transpose_lhs_hint = false} : vector<256x64xf32>, vector<64x64xf32>, vector<256x64xf32> -> vector<256x64xf32>
    %add3A_214 = arith.addf %add3A_202, %dot_general3A_213 : vector<256x64xf32>
    %swap3A_215 = arith.constant 0 : index
    %swap3A_216 = arith.constant 0 : index
    %swap3A_217 = vector.load %arg7[%swap3A_215, %swap3A_216] : memref<256x64xf32, #tpu.memory_space<vmem>>, vector<256x64xf32>
    tpu.vector_store %arg7[%swap3A_215, %swap3A_216], %add3A_214 {strides = array<i32>} : memref<256x64xf32, #tpu.memory_space<vmem>>, vector<256x64xf32>,
    %reduce_sum3A_218 = arith.constant dense<0.000000e+00> : vector<64xf32>
    %reduce_sum3A_219 = vector.multi_reduction <add>, %add3A_214, %reduce_sum3A_218 [0] : vector<256x64xf32> to vector<64xf32>
    %swap3A_220 = arith.constant 0 : index
    %swap3A_221 = arith.constant 0 : index
    %swap3A_222 = arith.constant 0 : index
    %swap3A_223 = vector.load %arg9[%swap3A_220, %swap3A_221, %swap3A_222] : memref<1x1x64xf32, #tpu.memory_space<vmem>>, vector<1x1x64xf32>
    %swap3A_224 = vector.shape_cast %swap3A_223 : vector<1x1x64xf32> to vector<64xf32>
    %swap3A_225 = vector.shape_cast %reduce_sum3A_219 : vector<64xf32> to vector<1x1x64xf32>
    tpu.vector_store %arg9[%swap3A_220, %swap3A_221, %swap3A_222], %swap3A_225 {strides = array<i32>} : memref<1x1x64xf32, #tpu.memory_space<vmem>>, vector<1x1x64xf32>,
    %mul3A_226 = arith.mulf %add3A_214, %add3A_214 : vector<256x64xf32>
    %reduce_sum3A_227 = arith.constant dense<0.000000e+00> : vector<64xf32>
    %reduce_sum3A_228 = vector.multi_reduction <add>, %mul3A_226, %reduce_sum3A_227 [0] : vector<256x64xf32> to vector<64xf32>
    %swap3A_229 = arith.constant 0 : index
    %swap3A_230 = arith.constant 0 : index
    %swap3A_231 = arith.constant 0 : index
    %swap3A_232 = vector.load %arg10[%swap3A_229, %swap3A_230, %swap3A_231] : memref<1x1x64xf32, #tpu.memory_space<vmem>>, vector<1x1x64xf32>
    %swap3A_233 = vector.shape_cast %swap3A_232 : vector<1x1x64xf32> to vector<64xf32>
    %swap3A_234 = vector.shape_cast %reduce_sum3A_228 : vector<64xf32> to vector<1x1x64xf32>
    tpu.vector_store %arg10[%swap3A_229, %swap3A_230, %swap3A_231], %swap3A_234 {strides = array<i32>} : memref<1x1x64xf32, #tpu.memory_space<vmem>>, vector<1x1x64xf32>,
    return
  }
  func.func @transform_0(%arg0: i32) -> (i32, i32) {
    %c0_i32 = arith.constant 0 : i32
    %c0_i32_0 = arith.constant 0 : i32
    return %arg0, %c0_i32 : i32, i32
  }
  func.func @transform_1(%arg0: i32) -> (i32, i32) {
    %c0_i32 = arith.constant 0 : i32
    %c0_i32_0 = arith.constant 0 : i32
    return %arg0, %c0_i32 : i32, i32
  }
  func.func @transform_2(%arg0: i32) -> (i32, i32) {
    %c0_i32 = arith.constant 0 : i32
    %c0_i32_0 = arith.constant 0 : i32
    %c0_i32_1 = arith.constant 0 : i32
    return %c0_i32, %c0_i32_0 : i32, i32
  }
  func.func @transform_3(%arg0: i32) -> (i32, i32) {
    %c0_i32 = arith.constant 0 : i32
    %c0_i32_0 = arith.constant 0 : i32
    %c0_i32_1 = arith.constant 0 : i32
    return %c0_i32, %c0_i32_0 : i32, i32
  }
  func.func @transform_4(%arg0: i32) -> (i32, i32) {
    %c0_i32 = arith.constant 0 : i32
    %c0_i32_0 = arith.constant 0 : i32
    %c0_i32_1 = arith.constant 0 : i32
    return %c0_i32, %c0_i32_0 : i32, i32
  }
  func.func @transform_5(%arg0: i32) -> (i32, i32) {
    %c0_i32 = arith.constant 0 : i32
    %c0_i32_0 = arith.constant 0 : i32
    %c0_i32_1 = arith.constant 0 : i32
    return %c0_i32, %c0_i32_0 : i32, i32
  }
  func.func @transform_6(%arg0: i32) -> (i32, i32) {
    %c0_i32 = arith.constant 0 : i32
    %c0_i32_0 = arith.constant 0 : i32
    return %arg0, %c0_i32 : i32, i32
  }
  func.func @transform_7(%arg0: i32) -> (i32, i32) {
    %c0_i32 = arith.constant 0 : i32
    %c0_i32_0 = arith.constant 0 : i32
    return %arg0, %c0_i32 : i32, i32
  }
  func.func @transform_8(%arg0: i32) -> (i32, i32, i32) {
    %c0_i32 = arith.constant 0 : i32
    %c0_i32_0 = arith.constant 0 : i32
    %c0_i32_1 = arith.constant 0 : i32
    return %arg0, %c0_i32, %c0_i32_0 : i32, i32, i32
  }
  func.func @transform_9(%arg0: i32) -> (i32, i32, i32) {
    %c0_i32 = arith.constant 0 : i32
    %c0_i32_0 = arith.constant 0 : i32
    %c0_i32_1 = arith.constant 0 : i32
    return %arg0, %c0_i32, %c0_i32_0 : i32, i32, i32
  }
}

module attributes {stable_mosaic.version = 14 : i64} {
  func.func @_tr_body(%arg0: i32, %arg1: memref<1024x64xf32, #tpu.memory_space<vmem>>, %arg2: memref<1024x64xf32, #tpu.memory_space<vmem>>, %arg3: memref<32x1x64xf32, #tpu.memory_space<vmem>>, %arg4: memref<32x1x64xf32, #tpu.memory_space<vmem>>, %arg5: memref<1x64xf32, #tpu.memory_space<vmem>>, %arg6: memref<1x64xf32, #tpu.memory_space<vmem>>, %arg7: memref<64x64xf32, #tpu.memory_space<vmem>>, %arg8: memref<64x64xf32, #tpu.memory_space<vmem>>, %arg9: memref<64x64xf32, #tpu.memory_space<vmem>>, %arg10: memref<1024x128xf32, #tpu.memory_space<vmem>>, %arg11: memref<1024x64xf32, #tpu.memory_space<vmem>>) attributes {dimension_semantics = [#tpu.dimension_semantics<arbitrary>], iteration_bounds = array<i64: 8>, scalar_prefetch = 0 : i64, scratch_operands = 0 : i64, tpu.core_type = #tpu.core_type<tc>, window_params = [{transform_indices = @transform_0, window_bounds = array<i64: 1024, 64>}, {transform_indices = @transform_1, window_bounds = array<i64: 1024, 64>}, {pipeline_mode = #tpu.pipeline_mode<synchronous>, transform_indices = @transform_2, window_bounds = array<i64: 32, 1, 64>}, {pipeline_mode = #tpu.pipeline_mode<synchronous>, transform_indices = @transform_3, window_bounds = array<i64: 32, 1, 64>}, {pipeline_mode = #tpu.pipeline_mode<synchronous>, transform_indices = @transform_4, window_bounds = array<i64: 1, 64>}, {pipeline_mode = #tpu.pipeline_mode<synchronous>, transform_indices = @transform_5, window_bounds = array<i64: 1, 64>}, {pipeline_mode = #tpu.pipeline_mode<synchronous>, transform_indices = @transform_6, window_bounds = array<i64: 64, 64>}, {pipeline_mode = #tpu.pipeline_mode<synchronous>, transform_indices = @transform_7, window_bounds = array<i64: 64, 64>}, {pipeline_mode = #tpu.pipeline_mode<synchronous>, transform_indices = @transform_8, window_bounds = array<i64: 64, 64>}, {transform_indices = @transform_9, window_bounds = array<i64: 1024, 128>}, {transform_indices = @transform_10, window_bounds = array<i64: 1024, 64>}]} {
    %get3A = arith.constant 0 : index
    %get3A_0 = arith.constant 0 : index
    %get3A_1 = arith.constant 0 : index
    %get3A_2 = vector.load %arg3[%get3A, %get3A_0, %get3A_1] : memref<32x1x64xf32, #tpu.memory_space<vmem>>, vector<32x1x64xf32>
    %get3A_3 = arith.constant 0 : index
    %get3A_4 = arith.constant 0 : index
    %get3A_5 = arith.constant 0 : index
    %get3A_6 = vector.load %arg4[%get3A_3, %get3A_4, %get3A_5] : memref<32x1x64xf32, #tpu.memory_space<vmem>>, vector<32x1x64xf32>
    %reduce_sum3A = arith.constant dense<0.000000e+00> : vector<64xf32>
    %reduce_sum3A_7 = vector.multi_reduction <add>, %get3A_2, %reduce_sum3A [0, 1] : vector<32x1x64xf32> to vector<64xf32>
    %reduce_sum3A_8 = arith.constant dense<0.000000e+00> : vector<64xf32>
    %reduce_sum3A_9 = vector.multi_reduction <add>, %get3A_6, %reduce_sum3A_8 [0, 1] : vector<32x1x64xf32> to vector<64xf32>
    %mul3A = arith.constant 1.22070313E-4 : f32
    %mul3A_10 = vector.broadcast %mul3A : f32 to vector<64xf32>
    %mul3A_11 = arith.mulf %reduce_sum3A_7, %mul3A_10 : vector<64xf32>
    %mul3A_12 = arith.constant 1.22070313E-4 : f32
    %mul3A_13 = vector.broadcast %mul3A_12 : f32 to vector<64xf32>
    %mul3A_14 = arith.mulf %reduce_sum3A_9, %mul3A_13 : vector<64xf32>
    %mul3A_15 = arith.mulf %mul3A_11, %mul3A_11 : vector<64xf32>
    %sub3A = arith.subf %mul3A_14, %mul3A_15 : vector<64xf32>
    %add3A = arith.constant 9.99999974E-6 : f32
    %add3A_16 = vector.broadcast %add3A : f32 to vector<64xf32>
    %add3A_17 = arith.addf %sub3A, %add3A_16 : vector<64xf32>
    %rsqrt3A = math.rsqrt %add3A_17 : vector<64xf32>
    %get3A_18 = arith.constant 0 : index
    %get3A_19 = arith.constant 0 : index
    %get3A_20 = vector.load %arg1[%get3A_18, %get3A_19] : memref<1024x64xf32, #tpu.memory_space<vmem>>, vector<1024x64xf32>
    %broadcast_in_dim3A = vector.shape_cast %mul3A_11 : vector<64xf32> to vector<1x64xf32>
    %sub3A_21 = vector.broadcast %broadcast_in_dim3A : vector<1x64xf32> to vector<1024x64xf32>
    %sub3A_22 = arith.subf %get3A_20, %sub3A_21 : vector<1024x64xf32>
    %get3A_23 = arith.constant 0 : index
    %get3A_24 = arith.constant 0 : index
    %get3A_25 = vector.load %arg5[%get3A_23, %get3A_24] : memref<1x64xf32, #tpu.memory_space<vmem>>, vector<1x64xf32>
    %get3A_26 = vector.shape_cast %get3A_25 : vector<1x64xf32> to vector<64xf32>
    %mul3A_27 = arith.mulf %rsqrt3A, %get3A_26 : vector<64xf32>
    %broadcast_in_dim3A_28 = vector.shape_cast %mul3A_27 : vector<64xf32> to vector<1x64xf32>
    %mul3A_29 = vector.broadcast %broadcast_in_dim3A_28 : vector<1x64xf32> to vector<1024x64xf32>
    %mul3A_30 = arith.mulf %sub3A_22, %mul3A_29 : vector<1024x64xf32>
    %get3A_31 = arith.constant 0 : index
    %get3A_32 = arith.constant 0 : index
    %get3A_33 = vector.load %arg6[%get3A_31, %get3A_32] : memref<1x64xf32, #tpu.memory_space<vmem>>, vector<1x64xf32>
    %get3A_34 = vector.shape_cast %get3A_33 : vector<1x64xf32> to vector<64xf32>
    %broadcast_in_dim3A_35 = vector.shape_cast %get3A_34 : vector<64xf32> to vector<1x64xf32>
    %add3A_36 = vector.broadcast %broadcast_in_dim3A_35 : vector<1x64xf32> to vector<1024x64xf32>
    %add3A_37 = arith.addf %mul3A_30, %add3A_36 : vector<1024x64xf32>
    %ge3A = arith.constant 0.000000e+00 : f32
    %ge3A_38 = vector.broadcast %ge3A : f32 to vector<1024x64xf32>
    %ge3A_39 = arith.cmpf oge, %add3A_37, %ge3A_38 : vector<1024x64xf32>
    %mul3A_40 = arith.constant 1.000000e-01 : f32
    %mul3A_41 = vector.broadcast %mul3A_40 : f32 to vector<1024x64xf32>
    %mul3A_42 = arith.mulf %mul3A_41, %add3A_37 : vector<1024x64xf32>
    %select_n3A = arith.select %ge3A_39, %add3A_37, %mul3A_42 : vector<1024x64xi1>, vector<1024x64xf32>
    %get3A_43 = arith.constant 0 : index
    %get3A_44 = arith.constant 0 : index
    %get3A_45 = vector.load %arg2[%get3A_43, %get3A_44] : memref<1024x64xf32, #tpu.memory_space<vmem>>, vector<1024x64xf32>
    %add3A_46 = arith.addf %get3A_45, %select_n3A : vector<1024x64xf32>
    %get3A_47 = arith.constant 0 : index
    %get3A_48 = arith.constant 0 : index
    %get3A_49 = vector.load %arg7[%get3A_47, %get3A_48] : memref<64x64xf32, #tpu.memory_space<vmem>>, vector<64x64xf32>
    %dot_general3A = arith.constant dense<0.000000e+00> : vector<1024x64xf32>
    %dot_general3A_50 = tpu.matmul %add3A_46, %get3A_49, %dot_general3A {dimension_numbers = #tpu.dot_dimension_numbers<[1], [0], [0], [1], [0, 0, 1, 1], [], []>, transpose_lhs_hint = false} : vector<1024x64xf32>, vector<64x64xf32>, vector<1024x64xf32> -> vector<1024x64xf32>
    %get3A_51 = arith.constant 0 : index
    %get3A_52 = arith.constant 0 : index
    %get3A_53 = vector.load %arg8[%get3A_51, %get3A_52] : memref<64x64xf32, #tpu.memory_space<vmem>>, vector<64x64xf32>
    %dot_general3A_54 = arith.constant dense<0.000000e+00> : vector<1024x64xf32>
    %dot_general3A_55 = tpu.matmul %add3A_46, %get3A_53, %dot_general3A_54 {dimension_numbers = #tpu.dot_dimension_numbers<[1], [0], [0], [1], [0, 0, 1, 1], [], []>, transpose_lhs_hint = false} : vector<1024x64xf32>, vector<64x64xf32>, vector<1024x64xf32> -> vector<1024x64xf32>
    %get3A_56 = arith.constant 0 : index
    %get3A_57 = arith.constant 0 : index
    %get3A_58 = vector.load %arg9[%get3A_56, %get3A_57] : memref<64x64xf32, #tpu.memory_space<vmem>>, vector<64x64xf32>
    %dot_general3A_59 = arith.constant dense<0.000000e+00> : vector<1024x64xf32>
    %dot_general3A_60 = tpu.matmul %add3A_46, %get3A_58, %dot_general3A_59 {dimension_numbers = #tpu.dot_dimension_numbers<[1], [0], [0], [1], [0, 0, 1, 1], [], []>, transpose_lhs_hint = false} : vector<1024x64xf32>, vector<64x64xf32>, vector<1024x64xf32> -> vector<1024x64xf32>
    %concatenate3A = tpu.concatenate %dot_general3A_50, %dot_general3A_55 in 1 : vector<1024x64xf32>, vector<1024x64xf32> -> vector<1024x128xf32>
    %swap3A = arith.constant 0 : index
    %swap3A_61 = arith.constant 0 : index
    %swap3A_62 = vector.load %arg10[%swap3A, %swap3A_61] : memref<1024x128xf32, #tpu.memory_space<vmem>>, vector<1024x128xf32>
    tpu.vector_store %arg10[%swap3A, %swap3A_61], %concatenate3A {strides = array<i32>} : memref<1024x128xf32, #tpu.memory_space<vmem>>, vector<1024x128xf32>,
    %swap3A_63 = arith.constant 0 : index
    %swap3A_64 = arith.constant 0 : index
    %swap3A_65 = vector.load %arg11[%swap3A_63, %swap3A_64] : memref<1024x64xf32, #tpu.memory_space<vmem>>, vector<1024x64xf32>
    tpu.vector_store %arg11[%swap3A_63, %swap3A_64], %dot_general3A_60 {strides = array<i32>} : memref<1024x64xf32, #tpu.memory_space<vmem>>, vector<1024x64xf32>,
    return
  }
  func.func @transform_0(%arg0: i32) -> (i32, i32) {
    %c0_i32 = arith.constant 0 : i32
    %c0_i32_0 = arith.constant 0 : i32
    return %arg0, %c0_i32 : i32, i32
  }
  func.func @transform_1(%arg0: i32) -> (i32, i32) {
    %c0_i32 = arith.constant 0 : i32
    %c0_i32_0 = arith.constant 0 : i32
    return %arg0, %c0_i32 : i32, i32
  }
  func.func @transform_2(%arg0: i32) -> (i32, i32, i32) {
    %c0_i32 = arith.constant 0 : i32
    %c0_i32_0 = arith.constant 0 : i32
    %c0_i32_1 = arith.constant 0 : i32
    %c0_i32_2 = arith.constant 0 : i32
    return %c0_i32, %c0_i32_0, %c0_i32_1 : i32, i32, i32
  }
  func.func @transform_3(%arg0: i32) -> (i32, i32, i32) {
    %c0_i32 = arith.constant 0 : i32
    %c0_i32_0 = arith.constant 0 : i32
    %c0_i32_1 = arith.constant 0 : i32
    %c0_i32_2 = arith.constant 0 : i32
    return %c0_i32, %c0_i32_0, %c0_i32_1 : i32, i32, i32
  }
  func.func @transform_4(%arg0: i32) -> (i32, i32) {
    %c0_i32 = arith.constant 0 : i32
    %c0_i32_0 = arith.constant 0 : i32
    %c0_i32_1 = arith.constant 0 : i32
    return %c0_i32, %c0_i32_0 : i32, i32
  }
  func.func @transform_5(%arg0: i32) -> (i32, i32) {
    %c0_i32 = arith.constant 0 : i32
    %c0_i32_0 = arith.constant 0 : i32
    %c0_i32_1 = arith.constant 0 : i32
    return %c0_i32, %c0_i32_0 : i32, i32
  }
  func.func @transform_6(%arg0: i32) -> (i32, i32) {
    %c0_i32 = arith.constant 0 : i32
    %c0_i32_0 = arith.constant 0 : i32
    %c0_i32_1 = arith.constant 0 : i32
    return %c0_i32, %c0_i32_0 : i32, i32
  }
  func.func @transform_7(%arg0: i32) -> (i32, i32) {
    %c0_i32 = arith.constant 0 : i32
    %c0_i32_0 = arith.constant 0 : i32
    %c0_i32_1 = arith.constant 0 : i32
    return %c0_i32, %c0_i32_0 : i32, i32
  }
  func.func @transform_8(%arg0: i32) -> (i32, i32) {
    %c0_i32 = arith.constant 0 : i32
    %c0_i32_0 = arith.constant 0 : i32
    %c0_i32_1 = arith.constant 0 : i32
    return %c0_i32, %c0_i32_0 : i32, i32
  }
  func.func @transform_9(%arg0: i32) -> (i32, i32) {
    %c0_i32 = arith.constant 0 : i32
    %c0_i32_0 = arith.constant 0 : i32
    return %arg0, %c0_i32 : i32, i32
  }
  func.func @transform_10(%arg0: i32) -> (i32, i32) {
    %c0_i32 = arith.constant 0 : i32
    %c0_i32_0 = arith.constant 0 : i32
    return %arg0, %c0_i32 : i32, i32
  }
}

module attributes {stable_mosaic.version = 14 : i64} {
  func.func @_att_body(%arg0: i32, %arg1: memref<8192x16xf32, #tpu.memory_space<vmem>>, %arg2: memref<512x64xf32, #tpu.memory_space<vmem>>, %arg3: memref<8192x128xf32, #tpu.memory_space<vmem>>, %arg4: memref<16x64xf32, #tpu.memory_space<vmem>>, %arg5: memref<1x64xf32, #tpu.memory_space<vmem>>, %arg6: memref<64x64xf32, #tpu.memory_space<vmem>>, %arg7: memref<1x64xf32, #tpu.memory_space<vmem>>, %arg8: memref<512x64xf32, #tpu.memory_space<vmem>>) attributes {dimension_semantics = [#tpu.dimension_semantics<arbitrary>], iteration_bounds = array<i64: 16>, scalar_prefetch = 0 : i64, scratch_operands = 0 : i64, tpu.core_type = #tpu.core_type<tc>, window_params = [{transform_indices = @transform_0, window_bounds = array<i64: 8192, 16>}, {transform_indices = @transform_1, window_bounds = array<i64: 512, 64>}, {transform_indices = @transform_2, window_bounds = array<i64: 8192, 128>}, {pipeline_mode = #tpu.pipeline_mode<synchronous>, transform_indices = @transform_3, window_bounds = array<i64: 16, 64>}, {pipeline_mode = #tpu.pipeline_mode<synchronous>, transform_indices = @transform_4, window_bounds = array<i64: 1, 64>}, {pipeline_mode = #tpu.pipeline_mode<synchronous>, transform_indices = @transform_5, window_bounds = array<i64: 64, 64>}, {pipeline_mode = #tpu.pipeline_mode<synchronous>, transform_indices = @transform_6, window_bounds = array<i64: 1, 64>}, {transform_indices = @transform_7, window_bounds = array<i64: 512, 64>}]} {
    %get3A = arith.constant 0 : index
    %get3A_0 = arith.constant 0 : index
    %get3A_1 = vector.load %arg1[%get3A, %get3A_0] : memref<8192x16xf32, #tpu.memory_space<vmem>>, vector<8192x16xf32>
    %get3A_2 = arith.constant 0 : index
    %get3A_3 = arith.constant 0 : index
    %get3A_4 = vector.load %arg4[%get3A_2, %get3A_3] : memref<16x64xf32, #tpu.memory_space<vmem>>, vector<16x64xf32>
    %dot_general3A = arith.constant dense<0.000000e+00> : vector<8192x64xf32>
    %dot_general3A_5 = tpu.matmul %get3A_1, %get3A_4, %dot_general3A {dimension_numbers = #tpu.dot_dimension_numbers<[1], [0], [0], [1], [0, 0, 1, 1], [], []>, transpose_lhs_hint = false} : vector<8192x16xf32>, vector<16x64xf32>, vector<8192x64xf32> -> vector<8192x64xf32>
    %get3A_6 = arith.constant 0 : index
    %get3A_7 = arith.constant 0 : index
    %get3A_8 = vector.load %arg5[%get3A_6, %get3A_7] : memref<1x64xf32, #tpu.memory_space<vmem>>, vector<1x64xf32>
    %add3A = vector.broadcast %get3A_8 : vector<1x64xf32> to vector<8192x64xf32>
    %add3A_9 = arith.addf %dot_general3A_5, %add3A : vector<8192x64xf32>
    %get3A_10 = arith.constant 0 : index
    %get3A_11 = arith.constant 0 : index
    %get3A_12 = vector.load %arg3[%get3A_10, %get3A_11] : memref<8192x128xf32, #tpu.memory_space<vmem>>, vector<8192x128xf32>
    %slice3A = vector.extract_strided_slice %get3A_12 {offsets = [0, 0], sizes = [8192, 64], strides = [1, 1]} : vector<8192x128xf32> to vector<8192x64xf32>
    %slice3A_13 = vector.extract_strided_slice %get3A_12 {offsets = [0, 64], sizes = [8192, 64], strides = [1, 1]} : vector<8192x128xf32> to vector<8192x64xf32>
    %get3A_14 = arith.constant 0 : index
    %get3A_15 = arith.constant 0 : index
    %get3A_16 = vector.load %arg2[%get3A_14, %get3A_15] : memref<512x64xf32, #tpu.memory_space<vmem>>, vector<512x64xf32>
    %broadcast_in_dim3A = vector.shape_cast %get3A_16 : vector<512x64xf32> to vector<512x1x64xf32>
    %broadcast_in_dim3A_17 = vector.shape_cast %broadcast_in_dim3A : vector<512x1x64xf32> to vector<512x1x64xf32>
    %broadcast_in_dim3A_18 = vector.broadcast %broadcast_in_dim3A_17 : vector<512x1x64xf32> to vector<512x16x64xf32>
    %reshape3A = vector.shape_cast %broadcast_in_dim3A_18 : vector<512x16x64xf32> to vector<8192x64xf32>
    %sub3A = arith.subf %reshape3A, %slice3A : vector<8192x64xf32>
    %add3A_19 = arith.addf %sub3A, %add3A_9 : vector<8192x64xf32>
    %max3A = arith.constant 0.000000e+00 : f32
    %max3A_20 = vector.broadcast %max3A : f32 to vector<8192x64xf32>
    %max3A_21 = arith.maximumf %add3A_19, %max3A_20 : vector<8192x64xf32>
    %get3A_22 = arith.constant 0 : index
    %get3A_23 = arith.constant 0 : index
    %get3A_24 = vector.load %arg6[%get3A_22, %get3A_23] : memref<64x64xf32, #tpu.memory_space<vmem>>, vector<64x64xf32>
    %dot_general3A_25 = arith.constant dense<0.000000e+00> : vector<8192x64xf32>
    %dot_general3A_26 = tpu.matmul %max3A_21, %get3A_24, %dot_general3A_25 {dimension_numbers = #tpu.dot_dimension_numbers<[1], [0], [0], [1], [0, 0, 1, 1], [], []>, transpose_lhs_hint = false} : vector<8192x64xf32>, vector<64x64xf32>, vector<8192x64xf32> -> vector<8192x64xf32>
    %get3A_27 = arith.constant 0 : index
    %get3A_28 = arith.constant 0 : index
    %get3A_29 = vector.load %arg7[%get3A_27, %get3A_28] : memref<1x64xf32, #tpu.memory_space<vmem>>, vector<1x64xf32>
    %add3A_30 = vector.broadcast %get3A_29 : vector<1x64xf32> to vector<8192x64xf32>
    %add3A_31 = arith.addf %dot_general3A_26, %add3A_30 : vector<8192x64xf32>
    %reshape3A_32 = vector.shape_cast %add3A_31 : vector<8192x64xf32> to vector<512x16x64xf32>
    %add3A_33 = arith.addf %slice3A_13, %add3A_9 : vector<8192x64xf32>
    %reshape3A_34 = vector.shape_cast %add3A_33 : vector<8192x64xf32> to vector<512x16x64xf32>
    %reduce_max3A = arith.constant dense<0xFF800000> : vector<512x64xf32>
    %reduce_max3A_35 = vector.multi_reduction <maximumf>, %reshape3A_32, %reduce_max3A [1] : vector<512x16x64xf32> to vector<512x64xf32>
    %broadcast_in_dim3A_36 = vector.shape_cast %reduce_max3A_35 : vector<512x64xf32> to vector<512x1x64xf32>
    %sub3A_37 = vector.broadcast %broadcast_in_dim3A_36 : vector<512x1x64xf32> to vector<512x16x64xf32>
    %sub3A_38 = arith.subf %reshape3A_32, %sub3A_37 : vector<512x16x64xf32>
    %exp3A = math.exp %sub3A_38 : vector<512x16x64xf32>
    %reduce_sum3A = arith.constant dense<0.000000e+00> : vector<512x64xf32>
    %reduce_sum3A_39 = vector.multi_reduction <add>, %exp3A, %reduce_sum3A [1] : vector<512x16x64xf32> to vector<512x64xf32>
    %mul3A = arith.mulf %exp3A, %reshape3A_34 : vector<512x16x64xf32>
    %reduce_sum3A_40 = arith.constant dense<0.000000e+00> : vector<512x64xf32>
    %reduce_sum3A_41 = vector.multi_reduction <add>, %mul3A, %reduce_sum3A_40 [1] : vector<512x16x64xf32> to vector<512x64xf32>
    %div3A = arith.divf %reduce_sum3A_41, %reduce_sum3A_39 : vector<512x64xf32>
    %swap3A = arith.constant 0 : index
    %swap3A_42 = arith.constant 0 : index
    %swap3A_43 = vector.load %arg8[%swap3A, %swap3A_42] : memref<512x64xf32, #tpu.memory_space<vmem>>, vector<512x64xf32>
    tpu.vector_store %arg8[%swap3A, %swap3A_42], %div3A {strides = array<i32>} : memref<512x64xf32, #tpu.memory_space<vmem>>, vector<512x64xf32>,
    return
  }
  func.func @transform_0(%arg0: i32) -> (i32, i32) {
    %c0_i32 = arith.constant 0 : i32
    %c0_i32_0 = arith.constant 0 : i32
    return %arg0, %c0_i32 : i32, i32
  }
  func.func @transform_1(%arg0: i32) -> (i32, i32) {
    %c0_i32 = arith.constant 0 : i32
    %c0_i32_0 = arith.constant 0 : i32
    return %arg0, %c0_i32 : i32, i32
  }
  func.func @transform_2(%arg0: i32) -> (i32, i32) {
    %c0_i32 = arith.constant 0 : i32
    %c0_i32_0 = arith.constant 0 : i32
    return %arg0, %c0_i32 : i32, i32
  }
  func.func @transform_3(%arg0: i32) -> (i32, i32) {
    %c0_i32 = arith.constant 0 : i32
    %c0_i32_0 = arith.constant 0 : i32
    %c0_i32_1 = arith.constant 0 : i32
    return %c0_i32, %c0_i32_0 : i32, i32
  }
  func.func @transform_4(%arg0: i32) -> (i32, i32) {
    %c0_i32 = arith.constant 0 : i32
    %c0_i32_0 = arith.constant 0 : i32
    %c0_i32_1 = arith.constant 0 : i32
    return %c0_i32, %c0_i32_0 : i32, i32
  }
  func.func @transform_5(%arg0: i32) -> (i32, i32) {
    %c0_i32 = arith.constant 0 : i32
    %c0_i32_0 = arith.constant 0 : i32
    %c0_i32_1 = arith.constant 0 : i32
    return %c0_i32, %c0_i32_0 : i32, i32
  }
  func.func @transform_6(%arg0: i32) -> (i32, i32) {
    %c0_i32 = arith.constant 0 : i32
    %c0_i32_0 = arith.constant 0 : i32
    %c0_i32_1 = arith.constant 0 : i32
    return %c0_i32, %c0_i32_0 : i32, i32
  }
  func.func @transform_7(%arg0: i32) -> (i32, i32) {
    %c0_i32 = arith.constant 0 : i32
    %c0_i32_0 = arith.constant 0 : i32
    return %arg0, %c0_i32 : i32, i32
  }
}

</mosaic_0001>

<sc_bundles>
// kernel: kernel.12.cloned.1.call-start
scs
__scs_entry_jumppad:
0x0: {  	(pc) =	sbr.rel $0x88, $3  }
0x1: {  	(tag) =	ssettag $0x0;
	lr =	simm.s32 $0x1  }
0x2: {  	[smem:$0x3F91] =	sst lr;
	_ =	strace $0xD0000000  }
0x3: {  	_ = 	snop  }
0x4: {  	_ = 	snop  }
0x5: {  	_ = 	snop  }
0x6: {  	_ = 	snop  }
0x7: {  	_ = 	snop  }
__scs_overlays_trampoline_lowered:
0x8: {  	[smem:$0x3FA0] =	sst s0  }
0x9: {  	[smem:$0x3FA1] =	sst s1  }
0xa: {  	[smem:$0x3FA2] =	sst s2  }
0xb: {  	[smem:$0x3FA3] =	sst s3  }
0xc: {  	[smem:$0x3FA4] =	sst s4  }
0xd: {  	[smem:$0x3FA5] =	sst s5  }
0xe: {  	[smem:$0x3FA6] =	sst s6  }
0xf: {  	[smem:$0x3FA7] =	sst s7  }
0x10: {  	[smem:$0x3FA8] =	sst s8  }
0x11: {  	[smem:$0x3FA9] =	sst s9;
	s0 =	simm.s32 @!p0 $0x0  }
0x12: {  	s1 =	sld [smem:$0x3F8F];
	s0 =	simm.s32 @p0 $0x1  }
0x13: {  	[smem:$0x3FAA] =	sst s0;
	s0 =	simm.s32 @!p1 $0x0  }
0x14: {  	s2 =	sld [smem:$0x3F8E];
	s0 =	simm.s32 @p1 $0x1  }
0x15: {  	[smem:$0x3FAB] =	sst s0;
	s0 =	simm.s32 @!p2 $0x0  }
0x16: {  	s3 =	sld [smem:$0x3FDB];
	s0 =	simm.s32 @p2 $0x1  }
0x17: {  	s4 =	simm.s32 $0x1BF5;
	[smem:$0x3FAD] =	sst s0  }
0x18: {  	s0 =	sld [smem:$0x3F90];
	_ =	swait.ge [sflag:s4], $0x0  }
0x19: {  	s7 =	sld [smem:$0x3F91]  }
0x1a: {  	s8 =	sadd.s32 $0xFFFFE003, lr  }
0x1b: {  	s9 =	sadd.s32 $0xFFFFFEF7, lr;
	s5 =	simm.s32 $0xFFFFFFFF;
	p2 =	slt.u32 s8, $0xFFFFF086  }
0x1c: {  	p1 =	slt.u32 s9, $0xF7A;
	s5 =	simm.s32 @!p2 $0x0  }
0x1d: {  	s5 =	simm.s32 @p1 $0x1;
	p0 =	seq.s32 s7, s2  }
0x1e: {  	s7 =	smul.u32 @!p0 $0xF7A, s2;
	p2 =	seq.s32 @!p0 s5, $0x0  }
0x1f: {  	s9 =	smul.u32 $0xF7A, s1;
	s8 =	simm.s32 @!p0 $0x1BF5;
	p2 =	por !p2, p0  }
0x20: {  	[sflag:s8] =	ssyncset.s32 @!p0 $0xFFFFF086;
	s6 =	sadd.s32 @!p0 s3, s7;
	s7 =	simm.s32 @!p0 $0x108  }
0x21: {  	s3 =	sadd.s32 s3, s9;
	s6 =	sadd.s32 @!p0 $0x88, s6;
	s7 =	simm.s32 @p2 $0x1082  }
0x22: {  	[simem:s7], [sflag:s8] =	dma.local @!p0 [hbm:s6], $0xF7A  }
0x23: {  	s9 =	sor.u32 $0xD0000000, s2;
	s6 =	simm.s32 $0x108;
	_ =	swait.ge @!p0 [sflag:s8], $0x0  }
0x24: {  	s3 =	sadd.s32 $0x88, s3;
	s6 =	simm.s32 @!p1 $0x1082;
	[sflag:s4] =	ssyncset.s32 $0xFFFFF086  }
0x25: {  	[simem:s6], [sflag:s4] =	dma.local [hbm:s3], $0xF7A  }
0x26: {  	[smem:$0x3F91] =	sst s1;
	(tag) =	ssettag s2;
	_ =	strace s9  }
0x27: {  	s1 =	sld [smem:$0x3FA1]  }
0x28: {  	s2 =	sld [smem:$0x3FA2]  }
0x29: {  	s4 =	sld [smem:$0x3FA4]  }
0x2a: {  	p0 =	seq.s32 s5, $0x0;
	s5 =	sld [smem:$0x3FA5]  }
0x2b: {  	s6 =	sld [smem:$0x3FA6]  }
0x2c: {  	s7 =	sld [smem:$0x3FA7]  }
0x2d: {  	s3 =	simm.s32 $0x108;
	s8 =	sld [smem:$0x3FA8]  }
0x2e: {  	s3 =	simm.s32 @!p0 $0x1082;
	s9 =	sld [smem:$0x3FA9]  }
0x2f: {  	lr =	sadd.s32 s0, s3;
	s0 =	sld [smem:$0x3FA0]  }
0x30: {  	s3 =	sld [smem:$0x3FA3]  }
0x31: {  	[smem:$0x3FAC] =	sst s10  }
0x32: {  	s10 =	sld [smem:$0x3FAA];
	_ =	sdelay $0x3  }
0x33: {  	p0 =	seq.s32 s10, $0x1;
	s10 =	sld [smem:$0x3FAC];
	_ =	sdelay $0x3  }
0x34: {  	[smem:$0x3FAC] =	sst s10  }
0x35: {  	s10 =	sld [smem:$0x3FAB];
	_ =	sdelay $0x3  }
0x36: {  	p1 =	seq.s32 s10, $0x1;
	s10 =	sld [smem:$0x3FAC];
	_ =	sdelay $0x3  }
0x37: {  	[smem:$0x3FAC] =	sst s10  }
0x38: {  	s10 =	sld [smem:$0x3FAD]  }
0x39: {  	_ = 	snop;
	(pc) =	sbr.ind lr, $3  }
0x3a: {  	_ = 	snop  }
0x3b: {  	_ = 	snop  }
0x3c: {  	p2 =	seq.s32 s10, $0x1;
	s10 =	sld [smem:$0x3FAC]  }
0x3d: {  	_ =	shalt  }
0x3e: {  	_ =	shalt  }
0x3f: {  	_ =	shalt  }
0x40: {  	_ =	shalt  }
0x41: {  	_ =	shalt  }
0x42: {  	_ =	shalt  }
0x43: {  	_ =	shalt  }
0x44: {  	_ =	shalt  }
0x45: {  	_ =	shalt  }
0x46: {  	_ =	shalt  }
0x47: {  	_ =	shalt  }
0x48: {  	_ =	shalt  }
0x49: {  	_ =	shalt  }
0x4a: {  	_ =	shalt  }
0x4b: {  	_ =	shalt  }
0x4c: {  	_ =	shalt  }
0x4d: {  	_ =	shalt  }
0x4e: {  	_ =	shalt  }
0x4f: {  	_ =	shalt  }
0x50: {  	_ =	shalt  }
0x51: {  	_ =	shalt  }
0x52: {  	_ =	shalt  }
0x53: {  	_ =	shalt  }
0x54: {  	_ =	shalt  }
0x55: {  	_ =	shalt  }
0x56: {  	_ =	shalt  }
0x57: {  	_ =	shalt  }
0x58: {  	_ =	shalt  }
0x59: {  	_ =	shalt  }
0x5a: {  	_ =	shalt  }
0x5b: {  	_ =	shalt  }
0x5c: {  	_ =	shalt  }
0x5d: {  	_ =	shalt  }
0x5e: {  	_ =	shalt  }
0x5f: {  	_ =	shalt  }
0x60: {  	_ =	shalt  }
0x61: {  	_ =	shalt  }
0x62: {  	_ =	shalt  }
0x63: {  	_ =	shalt  }
0x64: {  	_ =	shalt  }
0x65: {  	_ =	shalt  }
0x66: {  	_ =	shalt  }
0x67: {  	_ =	shalt  }
0x68: {  	_ =	shalt  }
0x69: {  	_ =	shalt  }
0x6a: {  	_ =	shalt  }
0x6b: {  	_ =	shalt  }
0x6c: {  	_ =	shalt  }
0x6d: {  	_ =	shalt  }
0x6e: {  	_ =	shalt  }
0x6f: {  	_ =	shalt  }
0x70: {  	_ =	shalt  }
0x71: {  	_ =	shalt  }
0x72: {  	_ =	shalt  }
0x73: {  	_ =	shalt  }
0x74: {  	_ =	shalt  }
0x75: {  	_ =	shalt  }
0x76: {  	_ =	shalt  }
0x77: {  	_ =	shalt  }
0x78: {  	_ =	shalt  }
0x79: {  	_ =	shalt  }
0x7a: {  	_ =	shalt  }
0x7b: {  	_ =	shalt  }
0x7c: {  	_ =	shalt  }
0x7d: {  	_ =	shalt  }
0x7e: {  	_ =	shalt  }
0x7f: {  	_ =	shalt  }
0x80: {  	_ =	shalt  }
0x81: {  	_ =	shalt  }
0x82: {  	_ =	shalt  }
0x83: {  	_ =	shalt  }
0x84: {  	_ =	shalt  }
0x85: {  	_ =	shalt  }
0x86: {  	_ =	shalt  }
0x87: {  	_ =	shalt  }
.Lfunc_end0:
.L_simem_size_0:
called_computation.1_lowered:
.L_overlay_start_0:
0x88: {  	s2 =	sld [smem:$0x3FD9]  }
0x89: {  	s3 =	sld [smem:$0x3FFE];
	_ =	sdelay $0x1  }
0x8a: {  	s1 =	srdreg.scid  }
0x8b: {  	s0 =	sand.u32 $0x1, s1  }
0x8c: {  	s17 =	sshll.u32 s0, $0xA;
	s2 =	sadd.s32 s3, s2  }
0x8d: {  	s2 =	sadd.s32 s2, s17  }
0x8e: {  	[smem:$0x3FB8] =	sst s2  }
0x8f: {  	_ = 	snop  }
0x90: {  	s2 =	sld [smem:$0x3FD0];
	(tm) =	ssettm $0x1  }
0x91: {  	s18 =	sld [smem:$0x3FFB];
	_ =	sdelay $0x3  }
0x92: {  	_ =	strace s18  }
0x93: {  	s3 =	sld [smem:$0x3FFC];
	_ =	sdelay $0x3  }
0x94: {  	_ =	strace s3  }
0x95: {  	s3 =	sld [smem:$0x3FFD];
	_ =	sdelay $0x3  }
0x96: {  	_ =	strace s3  }
0x97: {  	_ =	strace $0x8FFFFFFF  }
0x98: {  	s19 =	sld [smem:$0x3FDB];
	_ =	sdelay $0x1  }
0x99: {  	s4 =	simm.s32 $_scs_section_size  }
0x9a: {  	s5 =	simm.s32 $_size__tile_overlayer_lowered;
	s6 =	simm.s32 $_tile_overlayer_lowered  }
0x9b: {  	s22 =	simm.s32 $0x1BFF;
	s21 =	sshll.u32 s6, $0x1;
	s3 =	sadd.s32 s4, s19  }
0x9c: {  	s7 =	simm.s32 $0x0;
	s20 =	sshll.u32 s5, $0x1;
	s5 =	sadd.s32 s21, s3  }
0x9d: {  	[timem:s7], [sflag:s22] =	dma.local [hbm:s5], s20  }
0x9e: {  	_ =	swait.ge [sflag:s22], s20  }
0x9f: {  	s4 =	ssub.s32 $0x0, s20;
	[sflag:s22] =	ssyncset.done $0x0  }
0xa0: {  	[sflag:s22] =	ssyncadd.s32 s4;
	_ =	sdelay $0x1  }
0xa1: {  	s23 =	simm.s32 $0x1B8B  }
0xa2: {  	_ =	swait.ge [sflag:s23], $0x1  }
0xa3: {  	[sflag:s23] =	ssyncset.done $0x0  }
0xa4: {  	s25 =	simm.s32 $0x1B8E;
	s24 =	sld [smem:$0x3FFE];
	[sflag:s23] =	ssyncadd.s32 $0xFFFFFFFF  }
0xa5: {  	s26 =	simm.s32 $execute0_lowered;
	[smem:$0x3FD2] =	sst s25  }
0xa6: {  	s5 =	sshll.u32 s26, $0x1;
	_ =	strace $0x80000049;
	[dreg:$0x1] =	wrdreg $0xFFFFFFFF  }
0xa7: {  	s28 =	simm.s32 $_size_execute0_lowered;
	s3 =	sadd.s32 s3, s5;
	[dreg:$0x0] =	wrdreg $0x0  }
0xa8: {  	s5 =	sshll.u32 s28, $0x1;
	[dreg:$0x2] =	wrdreg s3  }
0xa9: {  	[dreg:$0x3] =	wrdreg s5  }
0xaa: {  	[dreg:$0x4] =	wrdreg $0xC0  }
0xab: {  	_ =	task [dreg:s7], $0x5FFFF  }
0xac: {  	[dreg:$0x1] =	wrdreg $0xFFFFFFFF  }
0xad: {  	[dreg:$0x0] =	wrdreg $0x60  }
0xae: {  	[dreg:$0x2] =	wrdreg s24  }
0xaf: {  	[dreg:$0x3] =	wrdreg s2  }
0xb0: {  	[dreg:$0x4] =	wrdreg $0x9  }
0xb1: {  	_ =	task.clear_ibuf [dreg:s7], $0x5FFFF;
	_ =	strace $0x90000049  }
0xb2: {  	s29 =	simm.s32 $0x9;
	_ =	strace $0x8000004B  }
0xb3: {  	_ =	swait.ge [sflag:s29], $0x1  }
0xb4: {  	[sflag:s29] =	ssyncadd.s32 $0xFFFFFFFF  }
0xb5: {  	_ =	strace $0x9000004B  }
0xb6: {  	_ =	sfence  }
0xb7: {  	s30 =	sld [smem:$0x0];
	_ =	sdelay $0x2  }
0xb8: {  	s31 =	sshll.u32 s1, $0xD;
	s1 =	sshrl.u32 s1, $0x2  }
0xb9: {  	s3 =	sand.u32 $0x4000, s31;
	s1 =	sadd.s32 s1, s30  }
0xba: {  	s0 =	sor.u32 s3, s0;
	s1 =	sshll.u32 s1, $0x11  }
0xbb: {  	s0 =	sor.u32 s1, s0  }
0xbc: {  	s0 =	sadd.s32 $0x8F2B, s0  }
0xbd: {  	[sflag:s0] =	ssyncadd.remote.s32 $0x1  }
0xbe: {  	_ =	sfence.sel $0xFFFF  }
0xbf: {  	[dreg:$0x0] =	wrdreg $0xFFFFFFFF;
	(pc) =	sbr.abs _section_cstart, $3  }
0xc0: {  	[dreg:$0x1] =	wrdreg $0xFFFFFFFF  }
0xc1: {  	_ =	task.clear_ibuf [dreg:s7], $0x2FFFF;
	_ =	strace $0x9FFFFFFF  }
0xc2: {  	(tm) =	ssettm $0x7FFFFFFF  }
0xc3: {  	_ =	shalt  }
tec
execute0_lowered:
.L_overlay_start_1:
0x0: {  	(tag) =	ssettag $0x1  }
0x1: {  	s4 =	rddreg [dreg:$0x0]  }
0x2: {  	s11 =	rddreg [dreg:$0x1]  }
0x3: {  	s0 =	rddreg [dreg:$0x2]  }
0x4: {  	s2 =	simm.s32 $0x0;
	s3 =	srdreg.scid;
	s1 =	stileid.u32  }
0x5: {  	s15 =	simm.s32 $0x4100;
	s16 =	simm.s32 $0x1;
	s17 =	simm.s32 $0x2  }
0x6: {  	s18 =	simm.s32 $0x0;
	[smem:$0x7FF] =	sst s2;
	s9 =	sand.u32 $0x1, s3  }
0x7: {  	s6 =	sshll.u32 s1, $0xD;
	s3 =	sadd.s32 $0x2E00, s4;
	s12 =	sadd.s32 $0x22E00, s4  }
0x8: {  	s14 =	sshll.u32 s1, $0x11;
	s5 =	ssub.s32 $0x2, s9;
	s7 =	sshll.u32 s9, $0xC  }
0x9: {  	_ =	strace $0x8000004A;
	s8 =	sshrl.u32 s5, $0x1;
	s10 =	sor.u32 s7, s6  }
0xa: {  	s9 =	sshll.u32 s9, $0x10;
	s5 =	ssub.s32 s5, s8;
	s25 =	sshrl.u32 s10, $0x3  }
0xb: {  	s6 =	sshll.u32 s10, $0x4;
	s7 =	sor.u32 $0xF80, s10;
	s29 =	sor.u32 $0x80, s10  }
0xc: {  	s10 =	sor.u32 $0x100, s10;
	s4 =	sadd.s32 s11, s25;
	s26 =	sadd.s32 s12, s6  }
0xd: {  	s5 =	smax.u32 s5, $0x1;
	s28 =	sshrl.u32 s7, $0x3;
	s13 =	sshll.u32 s7, $0x4  }
0xe: {  	s30 =	sshrl.u32 s29, $0x3;
	s31 =	sshrl.u32 s10, $0x3;
	s6 =	sadd.s32 s11, s28  }
0xf: {  	s7 =	sadd.s32 $0xF000, s26;
	s8 =	sadd.s32 s12, s13;
	s12 =	sadd.s32 s14, s12  }
0x10: {  	s10 =	sadd.s32 s30, s11;
	s11 =	sadd.s32 s31, s11;
	s13 =	simm.s32 $0x80  }
0x11: {  	s14 =	simm.s32 $0x100;
	s9 =	sadd.s32 s9, s12;
	s12 =	simm.s32 $0x3  }
.LBB2_1:
0x12: {  	[tilespmem:s2], [sflag:$0x3] =	stream.linear.gather [hbm4b:s4+s2], $0x80, $0x38;
	[tilespmem:$0x8100] =	vst v63  }
0x13: {  	_ =	swait.ge [sflag:s12], $0x80  }
0x14: {  	[sflag:s12] =	ssyncset.done $0x0  }
0x15: {  	[sflag:s12] =	ssyncadd.s32 $0xFFFFFF80  }
0x16: {  	[tilespmem:s14], [sflag:$0x1] =	stream.indirect.gather [hbm4b:s3+s13], $0x80, s2, s13, $0xb8;
	[tilespmem:$0x8100] =	vst v63  }
0x17: {  	s19 =	sadd.s32 $0x0, s10  }
0x18: {  	[tilespmem:s13], [sflag:$0x3] =	stream.linear.gather [hbm4b:s19+s2], $0x80, $0x38;
	[tilespmem:$0x8100] =	vst v63  }
0x19: {  	_ =	swait.ge [sflag:s12], $0x80  }
0x1a: {  	[sflag:s12] =	ssyncset.done $0x0  }
0x1b: {  	[sflag:s12] =	ssyncadd.s32 $0xFFFFFF80  }
0x1c: {  	[tilespmem:s15], [sflag:$0x2] =	stream.indirect.gather [hbm4b:s3+s13], $0x80, s13, s13, $0xb8;
	[tilespmem:$0x8100] =	vst v63  }
0x1d: {  	_ =	swait.ge [sflag:s16], $0x4000  }
0x1e: {  	[sflag:s16] =	ssyncset.done $0x0  }
0x1f: {  	[sflag:s16] =	ssyncadd.s32 $0xFFFFC000  }
0x20: {  	[hbm4b:s9+s2] =	stream.linear.scatter [tilespmem:s14], [sflag:$0x3], $0x4000, $0x38;
	[tilespmem:$0x8100] =	vst v63  }
0x21: {  	_ =	swait.ge [sflag:s12], $0x4000  }
0x22: {  	[sflag:s12] =	ssyncset.done $0x0  }
0x23: {  	s30 =	sadd.s32 $0x0, s11;
	[sflag:s12] =	ssyncadd.s32 $0xFFFFC000  }
0x24: {  	[tilespmem:s2], [sflag:$0x3] =	stream.linear.gather [hbm4b:s30+s2], $0x80, $0x38;
	[tilespmem:$0x8100] =	vst v63  }
0x25: {  	_ =	swait.ge [sflag:s12], $0x80  }
0x26: {  	[sflag:s12] =	ssyncset.done $0x0  }
0x27: {  	[sflag:s12] =	ssyncadd.s32 $0xFFFFFF80  }
0x28: {  	[tilespmem:s14], [sflag:$0x1] =	stream.indirect.gather [hbm4b:s3+s13], $0x80, s2, s13, $0xb8;
	[tilespmem:$0x8100] =	vst v63  }
0x29: {  	_ =	swait.ge [sflag:s17], $0x4000  }
0x2a: {  	[sflag:s17] =	ssyncset.done $0x0  }
0x2b: {  	s31 =	sadd.s32 $0x800, s9;
	[sflag:s17] =	ssyncadd.s32 $0xFFFFC000  }
0x2c: {  	[hbm4b:s31+s2] =	stream.linear.scatter [tilespmem:s15], [sflag:$0x3], $0x4000, $0x38;
	[tilespmem:$0x8100] =	vst v63  }
0x2d: {  	s20 =	simm.s32 $0x20;
	_ =	swait.ge [sflag:s12], $0x4000  }
0x2e: {  	s21 =	simm.s32 $0x40;
	s19 =	sadd.s32 $0x1000, s9;
	[sflag:s12] =	ssyncset.done $0x0  }
.LBB2_2:
0x2f: {  	s22 =	sadd.s32 s20, s10  }
0x30: {  	[sflag:s12] =	ssyncadd.s32 $0xFFFFC000;
	s23 =	smov.u32 s21;
	s24 =	sadd.s32 $0x20, s21  }
0x31: {  	[tilespmem:s13], [sflag:$0x3] =	stream.linear.gather [hbm4b:s22+s2], $0x80, $0x38;
	[tilespmem:$0x8100] =	vst v63  }
0x32: {  	p0 =	sne.s32 s21, $0x1C0;
	_ =	swait.ge [sflag:s12], $0x80  }
0x33: {  	[sflag:s12] =	ssyncset.done $0x0  }
0x34: {  	[sflag:s12] =	ssyncadd.s32 $0xFFFFFF80  }
0x35: {  	[tilespmem:s15], [sflag:$0x2] =	stream.indirect.gather [hbm4b:s3+s13], $0x80, s13, s13, $0xb8;
	[tilespmem:$0x8100] =	vst v63  }
0x36: {  	_ =	swait.ge [sflag:s16], $0x4000  }
0x37: {  	[sflag:s16] =	ssyncset.done $0x0  }
0x38: {  	[sflag:s16] =	ssyncadd.s32 $0xFFFFC000  }
0x39: {  	[hbm4b:s19+s2] =	stream.linear.scatter [tilespmem:s14], [sflag:$0x3], $0x4000, $0x38;
	[tilespmem:$0x8100] =	vst v63  }
0x3a: {  	_ =	swait.ge [sflag:s12], $0x4000  }
0x3b: {  	[sflag:s12] =	ssyncset.done $0x0  }
0x3c: {  	s21 =	sadd.s32 s20, s11;
	s20 =	smov.u32 s23;
	[sflag:s12] =	ssyncadd.s32 $0xFFFFC000  }
0x3d: {  	[tilespmem:s2], [sflag:$0x3] =	stream.linear.gather [hbm4b:s21+s2], $0x80, $0x38;
	[tilespmem:$0x8100] =	vst v63  }
0x3e: {  	_ =	swait.ge [sflag:s12], $0x80  }
0x3f: {  	[sflag:s12] =	ssyncset.done $0x0  }
0x40: {  	[sflag:s12] =	ssyncadd.s32 $0xFFFFFF80  }
0x41: {  	[tilespmem:s14], [sflag:$0x1] =	stream.indirect.gather [hbm4b:s3+s13], $0x80, s2, s13, $0xb8;
	[tilespmem:$0x8100] =	vst v63  }
0x42: {  	_ =	swait.ge [sflag:s17], $0x4000  }
.Ltmp0:
0x43: {  	[sflag:s17] =	ssyncset.done $0x0;
	(pc) =	sbr.rel @p0 .LBB2_2-.Ltmp0, $4  }
0x44: {  	s21 =	sadd.s32 $0x800, s19;
	[sflag:s17] =	ssyncadd.s32 $0xFFFFC000  }
0x45: {  	[hbm4b:s21+s2] =	stream.linear.scatter [tilespmem:s15], [sflag:$0x3], $0x4000, $0x38;
	[tilespmem:$0x8100] =	vst v63  }
0x46: {  	_ =	swait.ge [sflag:s12], $0x4000  }
0x47: {  	s19 =	sadd.s32 $0x1000, s19;
	s21 =	smov.u32 s24;
	[sflag:s12] =	ssyncset.done $0x0  }
0x48: {  	s21 =	sadd.s32 s20, s10;
	[sflag:s12] =	ssyncadd.s32 $0xFFFFC000  }
0x49: {  	[tilespmem:s13], [sflag:$0x3] =	stream.linear.gather [hbm4b:s21+s2], $0x80, $0x38;
	[tilespmem:$0x8100] =	vst v63  }
0x4a: {  	_ =	swait.ge [sflag:s12], $0x80  }
0x4b: {  	[sflag:s12] =	ssyncset.done $0x0  }
0x4c: {  	[sflag:s12] =	ssyncadd.s32 $0xFFFFFF80  }
0x4d: {  	[tilespmem:s15], [sflag:$0x2] =	stream.indirect.gather [hbm4b:s3+s13], $0x80, s13, s13, $0xb8;
	[tilespmem:$0x8100] =	vst v63  }
0x4e: {  	_ =	swait.ge [sflag:s16], $0x4000  }
0x4f: {  	[sflag:s16] =	ssyncset.done $0x0  }
0x50: {  	[sflag:s16] =	ssyncadd.s32 $0xFFFFC000  }
0x51: {  	[hbm4b:s19+s2] =	stream.linear.scatter [tilespmem:s14], [sflag:$0x3], $0x4000, $0x38;
	[tilespmem:$0x8100] =	vst v63  }
0x52: {  	_ =	swait.ge [sflag:s12], $0x4000  }
0x53: {  	[sflag:s12] =	ssyncset.done $0x0  }
0x54: {  	s30 =	sadd.s32 s20, s11;
	[sflag:s12] =	ssyncadd.s32 $0xFFFFC000  }
0x55: {  	[tilespmem:s2], [sflag:$0x3] =	stream.linear.gather [hbm4b:s30+s2], $0x80, $0x38;
	[tilespmem:$0x8100] =	vst v63  }
0x56: {  	_ =	swait.ge [sflag:s12], $0x80  }
0x57: {  	[sflag:s12] =	ssyncset.done $0x0  }
0x58: {  	[sflag:s12] =	ssyncadd.s32 $0xFFFFFF80  }
0x59: {  	[tilespmem:s14], [sflag:$0x1] =	stream.indirect.gather [hbm4b:s3+s13], $0x80, s2, s13, $0xb8;
	[tilespmem:$0x8100] =	vst v63  }
0x5a: {  	_ =	swait.ge [sflag:s17], $0x4000  }
0x5b: {  	[sflag:s17] =	ssyncset.done $0x0  }
0x5c: {  	s31 =	sadd.s32 $0x800, s19;
	[sflag:s17] =	ssyncadd.s32 $0xFFFFC000  }
0x5d: {  	[hbm4b:s31+s2] =	stream.linear.scatter [tilespmem:s15], [sflag:$0x3], $0x4000, $0x38;
	[tilespmem:$0x8100] =	vst v63  }
0x5e: {  	_ =	swait.ge [sflag:s12], $0x4000  }
0x5f: {  	[sflag:s12] =	ssyncset.done $0x0  }
0x60: {  	[sflag:s12] =	ssyncadd.s32 $0xFFFFC000  }
0x61: {  	[tilespmem:s13], [sflag:$0x3] =	stream.linear.gather [hbm4b:s6+s2], $0x80, $0x38;
	[tilespmem:$0x8100] =	vst v63  }
0x62: {  	_ =	swait.ge [sflag:s12], $0x80  }
0x63: {  	[sflag:s12] =	ssyncset.done $0x0  }
0x64: {  	[sflag:s12] =	ssyncadd.s32 $0xFFFFFF80  }
0x65: {  	[tilespmem:s15], [sflag:$0x2] =	stream.indirect.gather [hbm4b:s3+s13], $0x80, s13, s13, $0xb8;
	[tilespmem:$0x8100] =	vst v63  }
0x66: {  	_ =	swait.ge [sflag:s16], $0x4000  }
0x67: {  	[sflag:s16] =	ssyncset.done $0x0  }
0x68: {  	[sflag:s16] =	ssyncadd.s32 $0xFFFFC000  }
0x69: {  	[hbm4b:s7+s2] =	stream.linear.scatter [tilespmem:s14], [sflag:$0x3], $0x4000, $0x38;
	[tilespmem:$0x8100] =	vst v63  }
0x6a: {  	_ =	swait.ge [sflag:s12], $0x4000  }
0x6b: {  	[sflag:s12] =	ssyncset.done $0x0  }
0x6c: {  	[sflag:s12] =	ssyncadd.s32 $0xFFFFC000  }
0x6d: {  	s18 =	sadd.s32 $0x1, s18;
	_ =	swait.ge [sflag:s17], $0x4000  }
0x6e: {  	p0 =	sne.s32 s18, s5;
	[sflag:s17] =	ssyncset.done $0x0  }
.Ltmp1:
0x6f: {  	[sflag:s17] =	ssyncadd.s32 $0xFFFFC000;
	(pc) =	sbr.rel @p0 .LBB2_1-.Ltmp1, $4  }
0x70: {  	[hbm4b:s8+s2] =	stream.linear.scatter [tilespmem:s15], [sflag:$0x3], $0x4000, $0x38;
	[tilespmem:$0x8100] =	vst v63  }
0x71: {  	_ =	swait.ge [sflag:s12], $0x4000  }
0x72: {  	[sflag:s12] =	ssyncset.done $0x0  }
0x73: {  	[sflag:s12] =	ssyncadd.s32 $0xFFFFC000  }
0x74: {  	_ =	sfence.sel $0x180000  }
0x75: {  	[bflag:$0x0] =	sbarrier.arrive $0xFFFF  }
0x76: {  	p0 =	sne.s32 s1, $0x0;
	_ =	strace $0x9000004A  }
0x77: {  	s0 =	sadd.s32 @!p0 $0x100000, s0;
	[bflag:$0x2] =	sbarrier.arrive $0xFFFF  }
0x78: {  	[sflag:s0] =	ssyncadd.tile.s32 @!p0 $0x1;
	_ =	shalt  }
.Lfunc_end2:
_tile_overlayer_lowered:
.L_overlay_start_2:
0x79: {  	(tag) =	ssettag $0x2  }
0x7a: {  	s0 =	rddreg [dreg:$0x0];
	s2 =	stileid.u32  }
0x7b: {  	s1 =	rddreg [dreg:$0x1];
	p0 =	sne.s32 s2, $0x0  }
0x7c: {  	s3 =	rddreg [dreg:$0x2];
	[bflag:$0x3] =	sbarrier.arrive $0xFFFF;
	s2 =	simm.s32 @!p0 $0x1C03  }
0x7d: {  	[timem:s3], [sflag:s2] =	dma.local @!p0 [hbm:s0], s1  }
0x7e: {  	s0 =	simm.s32 @!p0 $0x3  }
0x7f: {  	_ =	swait.ge @!p0 [sflag:s0], s1  }
0x80: {  	s1 =	ssub.s32 @!p0 $0x0, s1;
	[sflag:s0] =	ssyncset.done @!p0 $0x0  }
0x81: {  	[sflag:s0] =	ssyncadd.s32 @!p0 s1  }
0x82: {  	[bflag:$0x3] =	sbarrier.arrive $0xFFFF  }
0x83: {  	_ =	shalt  }

// kernel: kernel.9.cloned.1.call-start
scs
__scs_entry_jumppad:
0x0: {  	(pc) =	sbr.rel $0x88, $3  }
0x1: {  	(tag) =	ssettag $0x0;
	lr =	simm.s32 $0x1  }
0x2: {  	[smem:$0x3F91] =	sst lr;
	_ =	strace $0xD0000000  }
0x3: {  	_ = 	snop  }
0x4: {  	_ = 	snop  }
0x5: {  	_ = 	snop  }
0x6: {  	_ = 	snop  }
0x7: {  	_ = 	snop  }
__scs_overlays_trampoline_lowered:
0x8: {  	[smem:$0x3FA0] =	sst s0  }
0x9: {  	[smem:$0x3FA1] =	sst s1  }
0xa: {  	[smem:$0x3FA2] =	sst s2  }
0xb: {  	[smem:$0x3FA3] =	sst s3  }
0xc: {  	[smem:$0x3FA4] =	sst s4  }
0xd: {  	[smem:$0x3FA5] =	sst s5  }
0xe: {  	[smem:$0x3FA6] =	sst s6  }
0xf: {  	[smem:$0x3FA7] =	sst s7  }
0x10: {  	[smem:$0x3FA8] =	sst s8  }
0x11: {  	[smem:$0x3FA9] =	sst s9;
	s0 =	simm.s32 @!p0 $0x0  }
0x12: {  	s1 =	sld [smem:$0x3F8F];
	s0 =	simm.s32 @p0 $0x1  }
0x13: {  	[smem:$0x3FAA] =	sst s0;
	s0 =	simm.s32 @!p1 $0x0  }
0x14: {  	s2 =	sld [smem:$0x3F8E];
	s0 =	simm.s32 @p1 $0x1  }
0x15: {  	[smem:$0x3FAB] =	sst s0;
	s0 =	simm.s32 @!p2 $0x0  }
0x16: {  	s3 =	sld [smem:$0x3FDB];
	s0 =	simm.s32 @p2 $0x1  }
0x17: {  	s4 =	simm.s32 $0x1BF5;
	[smem:$0x3FAD] =	sst s0  }
0x18: {  	s0 =	sld [smem:$0x3F90];
	_ =	swait.ge [sflag:s4], $0x0  }
0x19: {  	s7 =	sld [smem:$0x3F91]  }
0x1a: {  	s8 =	sadd.s32 $0xFFFFE003, lr  }
0x1b: {  	s9 =	sadd.s32 $0xFFFFFEF7, lr;
	s5 =	simm.s32 $0xFFFFFFFF;
	p2 =	slt.u32 s8, $0xFFFFF086  }
0x1c: {  	p1 =	slt.u32 s9, $0xF7A;
	s5 =	simm.s32 @!p2 $0x0  }
0x1d: {  	s5 =	simm.s32 @p1 $0x1;
	p0 =	seq.s32 s7, s2  }
0x1e: {  	s7 =	smul.u32 @!p0 $0xF7A, s2;
	p2 =	seq.s32 @!p0 s5, $0x0  }
0x1f: {  	s9 =	smul.u32 $0xF7A, s1;
	s8 =	simm.s32 @!p0 $0x1BF5;
	p2 =	por !p2, p0  }
0x20: {  	[sflag:s8] =	ssyncset.s32 @!p0 $0xFFFFF086;
	s6 =	sadd.s32 @!p0 s3, s7;
	s7 =	simm.s32 @!p0 $0x108  }
0x21: {  	s3 =	sadd.s32 s3, s9;
	s6 =	sadd.s32 @!p0 $0x88, s6;
	s7 =	simm.s32 @p2 $0x1082  }
0x22: {  	[simem:s7], [sflag:s8] =	dma.local @!p0 [hbm:s6], $0xF7A  }
0x23: {  	s9 =	sor.u32 $0xD0000000, s2;
	s6 =	simm.s32 $0x108;
	_ =	swait.ge @!p0 [sflag:s8], $0x0  }
0x24: {  	s3 =	sadd.s32 $0x88, s3;
	s6 =	simm.s32 @!p1 $0x1082;
	[sflag:s4] =	ssyncset.s32 $0xFFFFF086  }
0x25: {  	[simem:s6], [sflag:s4] =	dma.local [hbm:s3], $0xF7A  }
0x26: {  	[smem:$0x3F91] =	sst s1;
	(tag) =	ssettag s2;
	_ =	strace s9  }
0x27: {  	s1 =	sld [smem:$0x3FA1]  }
0x28: {  	s2 =	sld [smem:$0x3FA2]  }
0x29: {  	s4 =	sld [smem:$0x3FA4]  }
0x2a: {  	p0 =	seq.s32 s5, $0x0;
	s5 =	sld [smem:$0x3FA5]  }
0x2b: {  	s6 =	sld [smem:$0x3FA6]  }
0x2c: {  	s7 =	sld [smem:$0x3FA7]  }
0x2d: {  	s3 =	simm.s32 $0x108;
	s8 =	sld [smem:$0x3FA8]  }
0x2e: {  	s3 =	simm.s32 @!p0 $0x1082;
	s9 =	sld [smem:$0x3FA9]  }
0x2f: {  	lr =	sadd.s32 s0, s3;
	s0 =	sld [smem:$0x3FA0]  }
0x30: {  	s3 =	sld [smem:$0x3FA3]  }
0x31: {  	[smem:$0x3FAC] =	sst s10  }
0x32: {  	s10 =	sld [smem:$0x3FAA];
	_ =	sdelay $0x3  }
0x33: {  	p0 =	seq.s32 s10, $0x1;
	s10 =	sld [smem:$0x3FAC];
	_ =	sdelay $0x3  }
0x34: {  	[smem:$0x3FAC] =	sst s10  }
0x35: {  	s10 =	sld [smem:$0x3FAB];
	_ =	sdelay $0x3  }
0x36: {  	p1 =	seq.s32 s10, $0x1;
	s10 =	sld [smem:$0x3FAC];
	_ =	sdelay $0x3  }
0x37: {  	[smem:$0x3FAC] =	sst s10  }
0x38: {  	s10 =	sld [smem:$0x3FAD]  }
0x39: {  	_ = 	snop;
	(pc) =	sbr.ind lr, $3  }
0x3a: {  	_ = 	snop  }
0x3b: {  	_ = 	snop  }
0x3c: {  	p2 =	seq.s32 s10, $0x1;
	s10 =	sld [smem:$0x3FAC]  }
0x3d: {  	_ =	shalt  }
0x3e: {  	_ =	shalt  }
0x3f: {  	_ =	shalt  }
0x40: {  	_ =	shalt  }
0x41: {  	_ =	shalt  }
0x42: {  	_ =	shalt  }
0x43: {  	_ =	shalt  }
0x44: {  	_ =	shalt  }
0x45: {  	_ =	shalt  }
0x46: {  	_ =	shalt  }
0x47: {  	_ =	shalt  }
0x48: {  	_ =	shalt  }
0x49: {  	_ =	shalt  }
0x4a: {  	_ =	shalt  }
0x4b: {  	_ =	shalt  }
0x4c: {  	_ =	shalt  }
0x4d: {  	_ =	shalt  }
0x4e: {  	_ =	shalt  }
0x4f: {  	_ =	shalt  }
0x50: {  	_ =	shalt  }
0x51: {  	_ =	shalt  }
0x52: {  	_ =	shalt  }
0x53: {  	_ =	shalt  }
0x54: {  	_ =	shalt  }
0x55: {  	_ =	shalt  }
0x56: {  	_ =	shalt  }
0x57: {  	_ =	shalt  }
0x58: {  	_ =	shalt  }
0x59: {  	_ =	shalt  }
0x5a: {  	_ =	shalt  }
0x5b: {  	_ =	shalt  }
0x5c: {  	_ =	shalt  }
0x5d: {  	_ =	shalt  }
0x5e: {  	_ =	shalt  }
0x5f: {  	_ =	shalt  }
0x60: {  	_ =	shalt  }
0x61: {  	_ =	shalt  }
0x62: {  	_ =	shalt  }
0x63: {  	_ =	shalt  }
0x64: {  	_ =	shalt  }
0x65: {  	_ =	shalt  }
0x66: {  	_ =	shalt  }
0x67: {  	_ =	shalt  }
0x68: {  	_ =	shalt  }
0x69: {  	_ =	shalt  }
0x6a: {  	_ =	shalt  }
0x6b: {  	_ =	shalt  }
0x6c: {  	_ =	shalt  }
0x6d: {  	_ =	shalt  }
0x6e: {  	_ =	shalt  }
0x6f: {  	_ =	shalt  }
0x70: {  	_ =	shalt  }
0x71: {  	_ =	shalt  }
0x72: {  	_ =	shalt  }
0x73: {  	_ =	shalt  }
0x74: {  	_ =	shalt  }
0x75: {  	_ =	shalt  }
0x76: {  	_ =	shalt  }
0x77: {  	_ =	shalt  }
0x78: {  	_ =	shalt  }
0x79: {  	_ =	shalt  }
0x7a: {  	_ =	shalt  }
0x7b: {  	_ =	shalt  }
0x7c: {  	_ =	shalt  }
0x7d: {  	_ =	shalt  }
0x7e: {  	_ =	shalt  }
0x7f: {  	_ =	shalt  }
0x80: {  	_ =	shalt  }
0x81: {  	_ =	shalt  }
0x82: {  	_ =	shalt  }
0x83: {  	_ =	shalt  }
0x84: {  	_ =	shalt  }
0x85: {  	_ =	shalt  }
0x86: {  	_ =	shalt  }
0x87: {  	_ =	shalt  }
.Lfunc_end0:
.L_simem_size_0:
called_computation_lowered:
.L_overlay_start_0:
0x88: {  	s2 =	sld [smem:$0x3FD9]  }
0x89: {  	s3 =	sld [smem:$0x3FFE];
	_ =	sdelay $0x1  }
0x8a: {  	s1 =	srdreg.scid  }
0x8b: {  	s0 =	sand.u32 $0x1, s1  }
0x8c: {  	s17 =	sshll.u32 s0, $0xA;
	s2 =	sadd.s32 s3, s2  }
0x8d: {  	s2 =	sadd.s32 s2, s17  }
0x8e: {  	[smem:$0x3FB8] =	sst s2  }
0x8f: {  	_ = 	snop  }
0x90: {  	s2 =	sld [smem:$0x3FD0];
	(tm) =	ssettm $0x1  }
0x91: {  	s18 =	sld [smem:$0x3FFB];
	_ =	sdelay $0x3  }
0x92: {  	_ =	strace s18  }
0x93: {  	s3 =	sld [smem:$0x3FFC];
	_ =	sdelay $0x3  }
0x94: {  	_ =	strace s3  }
0x95: {  	s3 =	sld [smem:$0x3FFD];
	_ =	sdelay $0x3  }
0x96: {  	_ =	strace s3  }
0x97: {  	_ =	strace $0x8FFFFFFF  }
0x98: {  	s19 =	sld [smem:$0x3FDB];
	_ =	sdelay $0x1  }
0x99: {  	s4 =	simm.s32 $_scs_section_size  }
0x9a: {  	s5 =	simm.s32 $_size__tile_overlayer_lowered;
	s6 =	simm.s32 $_tile_overlayer_lowered  }
0x9b: {  	s22 =	simm.s32 $0x1BFF;
	s21 =	sshll.u32 s6, $0x1;
	s3 =	sadd.s32 s4, s19  }
0x9c: {  	s7 =	simm.s32 $0x0;
	s20 =	sshll.u32 s5, $0x1;
	s5 =	sadd.s32 s21, s3  }
0x9d: {  	[timem:s7], [sflag:s22] =	dma.local [hbm:s5], s20  }
0x9e: {  	_ =	swait.ge [sflag:s22], s20  }
0x9f: {  	s4 =	ssub.s32 $0x0, s20;
	[sflag:s22] =	ssyncset.done $0x0  }
0xa0: {  	[sflag:s22] =	ssyncadd.s32 s4;
	_ =	sdelay $0x1  }
0xa1: {  	s23 =	simm.s32 $0x1B8B  }
0xa2: {  	_ =	swait.ge [sflag:s23], $0x1  }
0xa3: {  	[sflag:s23] =	ssyncset.done $0x0  }
0xa4: {  	s25 =	simm.s32 $0x1B8E;
	s24 =	sld [smem:$0x3FFE];
	[sflag:s23] =	ssyncadd.s32 $0xFFFFFFFF  }
0xa5: {  	s26 =	simm.s32 $execute0_lowered;
	[smem:$0x3FD2] =	sst s25  }
0xa6: {  	s5 =	sshll.u32 s26, $0x1;
	_ =	strace $0x80000046;
	[dreg:$0x1] =	wrdreg $0xFFFFFFFF  }
0xa7: {  	s28 =	simm.s32 $_size_execute0_lowered;
	s3 =	sadd.s32 s3, s5;
	[dreg:$0x0] =	wrdreg $0x0  }
0xa8: {  	s5 =	sshll.u32 s28, $0x1;
	[dreg:$0x2] =	wrdreg s3  }
0xa9: {  	[dreg:$0x3] =	wrdreg s5  }
0xaa: {  	[dreg:$0x4] =	wrdreg $0xC0  }
0xab: {  	_ =	task [dreg:s7], $0x5FFFF  }
0xac: {  	[dreg:$0x1] =	wrdreg $0xFFFFFFFF  }
0xad: {  	[dreg:$0x0] =	wrdreg $0x60  }
0xae: {  	[dreg:$0x2] =	wrdreg s24  }
0xaf: {  	[dreg:$0x3] =	wrdreg s2  }
0xb0: {  	[dreg:$0x4] =	wrdreg $0x9  }
0xb1: {  	_ =	task.clear_ibuf [dreg:s7], $0x5FFFF;
	_ =	strace $0x90000046  }
0xb2: {  	s29 =	simm.s32 $0x9;
	_ =	strace $0x80000048  }
0xb3: {  	_ =	swait.ge [sflag:s29], $0x1  }
0xb4: {  	[sflag:s29] =	ssyncadd.s32 $0xFFFFFFFF  }
0xb5: {  	_ =	strace $0x90000048  }
0xb6: {  	_ =	sfence  }
0xb7: {  	s30 =	sld [smem:$0x0];
	_ =	sdelay $0x2  }
0xb8: {  	s31 =	sshll.u32 s1, $0xD;
	s1 =	sshrl.u32 s1, $0x2  }
0xb9: {  	s3 =	sand.u32 $0x4000, s31;
	s1 =	sadd.s32 s1, s30  }
0xba: {  	s0 =	sor.u32 s3, s0;
	s1 =	sshll.u32 s1, $0x11  }
0xbb: {  	s0 =	sor.u32 s1, s0  }
0xbc: {  	s0 =	sadd.s32 $0x8F2B, s0  }
0xbd: {  	[sflag:s0] =	ssyncadd.remote.s32 $0x1  }
0xbe: {  	_ =	sfence.sel $0xFFFF  }
0xbf: {  	[dreg:$0x0] =	wrdreg $0xFFFFFFFF;
	(pc) =	sbr.abs _section_cstart, $3  }
0xc0: {  	[dreg:$0x1] =	wrdreg $0xFFFFFFFF  }
0xc1: {  	_ =	task.clear_ibuf [dreg:s7], $0x2FFFF;
	_ =	strace $0x9FFFFFFF  }
0xc2: {  	(tm) =	ssettm $0x7FFFFFFF  }
0xc3: {  	_ =	shalt  }
tec
execute0_lowered:
.L_overlay_start_1:
0x0: {  	(tag) =	ssettag $0x1  }
0x1: {  	s4 =	rddreg [dreg:$0x0]  }
0x2: {  	s11 =	rddreg [dreg:$0x1]  }
0x3: {  	s0 =	rddreg [dreg:$0x2]  }
0x4: {  	s2 =	simm.s32 $0x0;
	s3 =	srdreg.scid;
	s1 =	stileid.u32  }
0x5: {  	s15 =	simm.s32 $0x4100;
	s16 =	simm.s32 $0x1;
	s17 =	simm.s32 $0x2  }
0x6: {  	s18 =	simm.s32 $0x0;
	[smem:$0x7FF] =	sst s2;
	s9 =	sand.u32 $0x1, s3  }
0x7: {  	s6 =	sshll.u32 s1, $0xD;
	s3 =	sadd.s32 $0x2E00, s4;
	s12 =	sadd.s32 $0x22E00, s4  }
0x8: {  	s14 =	sshll.u32 s1, $0x11;
	s5 =	ssub.s32 $0x2, s9;
	s7 =	sshll.u32 s9, $0xC  }
0x9: {  	_ =	strace $0x80000047;
	s8 =	sshrl.u32 s5, $0x1;
	s10 =	sor.u32 s7, s6  }
0xa: {  	s9 =	sshll.u32 s9, $0x10;
	s5 =	ssub.s32 s5, s8;
	s25 =	sshrl.u32 s10, $0x3  }
0xb: {  	s6 =	sshll.u32 s10, $0x4;
	s7 =	sor.u32 $0xF80, s10;
	s29 =	sor.u32 $0x80, s10  }
0xc: {  	s10 =	sor.u32 $0x100, s10;
	s4 =	sadd.s32 s11, s25;
	s26 =	sadd.s32 s12, s6  }
0xd: {  	s5 =	smax.u32 s5, $0x1;
	s28 =	sshrl.u32 s7, $0x3;
	s13 =	sshll.u32 s7, $0x4  }
0xe: {  	s30 =	sshrl.u32 s29, $0x3;
	s31 =	sshrl.u32 s10, $0x3;
	s6 =	sadd.s32 s11, s28  }
0xf: {  	s7 =	sadd.s32 $0xF000, s26;
	s8 =	sadd.s32 s12, s13;
	s12 =	sadd.s32 s14, s12  }
0x10: {  	s10 =	sadd.s32 s30, s11;
	s11 =	sadd.s32 s31, s11;
	s13 =	simm.s32 $0x80  }
0x11: {  	s14 =	simm.s32 $0x100;
	s9 =	sadd.s32 s9, s12;
	s12 =	simm.s32 $0x3  }
.LBB2_1:
0x12: {  	[tilespmem:s2], [sflag:$0x3] =	stream.linear.gather [hbm4b:s4+s2], $0x80, $0x38;
	[tilespmem:$0x8100] =	vst v63  }
0x13: {  	_ =	swait.ge [sflag:s12], $0x80  }
0x14: {  	[sflag:s12] =	ssyncset.done $0x0  }
0x15: {  	[sflag:s12] =	ssyncadd.s32 $0xFFFFFF80  }
0x16: {  	[tilespmem:s14], [sflag:$0x1] =	stream.indirect.gather [hbm4b:s3+s13], $0x80, s2, s13, $0xb8;
	[tilespmem:$0x8100] =	vst v63  }
0x17: {  	s19 =	sadd.s32 $0x0, s10  }
0x18: {  	[tilespmem:s13], [sflag:$0x3] =	stream.linear.gather [hbm4b:s19+s2], $0x80, $0x38;
	[tilespmem:$0x8100] =	vst v63  }
0x19: {  	_ =	swait.ge [sflag:s12], $0x80  }
0x1a: {  	[sflag:s12] =	ssyncset.done $0x0  }
0x1b: {  	[sflag:s12] =	ssyncadd.s32 $0xFFFFFF80  }
0x1c: {  	[tilespmem:s15], [sflag:$0x2] =	stream.indirect.gather [hbm4b:s3+s13], $0x80, s13, s13, $0xb8;
	[tilespmem:$0x8100] =	vst v63  }
0x1d: {  	_ =	swait.ge [sflag:s16], $0x4000  }
0x1e: {  	[sflag:s16] =	ssyncset.done $0x0  }
0x1f: {  	[sflag:s16] =	ssyncadd.s32 $0xFFFFC000  }
0x20: {  	[hbm4b:s9+s2] =	stream.linear.scatter [tilespmem:s14], [sflag:$0x3], $0x4000, $0x38;
	[tilespmem:$0x8100] =	vst v63  }
0x21: {  	_ =	swait.ge [sflag:s12], $0x4000  }
0x22: {  	[sflag:s12] =	ssyncset.done $0x0  }
0x23: {  	s30 =	sadd.s32 $0x0, s11;
	[sflag:s12] =	ssyncadd.s32 $0xFFFFC000  }
0x24: {  	[tilespmem:s2], [sflag:$0x3] =	stream.linear.gather [hbm4b:s30+s2], $0x80, $0x38;
	[tilespmem:$0x8100] =	vst v63  }
0x25: {  	_ =	swait.ge [sflag:s12], $0x80  }
0x26: {  	[sflag:s12] =	ssyncset.done $0x0  }
0x27: {  	[sflag:s12] =	ssyncadd.s32 $0xFFFFFF80  }
0x28: {  	[tilespmem:s14], [sflag:$0x1] =	stream.indirect.gather [hbm4b:s3+s13], $0x80, s2, s13, $0xb8;
	[tilespmem:$0x8100] =	vst v63  }
0x29: {  	_ =	swait.ge [sflag:s17], $0x4000  }
0x2a: {  	[sflag:s17] =	ssyncset.done $0x0  }
0x2b: {  	s31 =	sadd.s32 $0x800, s9;
	[sflag:s17] =	ssyncadd.s32 $0xFFFFC000  }
0x2c: {  	[hbm4b:s31+s2] =	stream.linear.scatter [tilespmem:s15], [sflag:$0x3], $0x4000, $0x38;
	[tilespmem:$0x8100] =	vst v63  }
0x2d: {  	s20 =	simm.s32 $0x20;
	_ =	swait.ge [sflag:s12], $0x4000  }
0x2e: {  	s21 =	simm.s32 $0x40;
	s19 =	sadd.s32 $0x1000, s9;
	[sflag:s12] =	ssyncset.done $0x0  }
.LBB2_2:
0x2f: {  	s22 =	sadd.s32 s20, s10  }
0x30: {  	[sflag:s12] =	ssyncadd.s32 $0xFFFFC000;
	s23 =	smov.u32 s21;
	s24 =	sadd.s32 $0x20, s21  }
0x31: {  	[tilespmem:s13], [sflag:$0x3] =	stream.linear.gather [hbm4b:s22+s2], $0x80, $0x38;
	[tilespmem:$0x8100] =	vst v63  }
0x32: {  	p0 =	sne.s32 s21, $0x1C0;
	_ =	swait.ge [sflag:s12], $0x80  }
0x33: {  	[sflag:s12] =	ssyncset.done $0x0  }
0x34: {  	[sflag:s12] =	ssyncadd.s32 $0xFFFFFF80  }
0x35: {  	[tilespmem:s15], [sflag:$0x2] =	stream.indirect.gather [hbm4b:s3+s13], $0x80, s13, s13, $0xb8;
	[tilespmem:$0x8100] =	vst v63  }
0x36: {  	_ =	swait.ge [sflag:s16], $0x4000  }
0x37: {  	[sflag:s16] =	ssyncset.done $0x0  }
0x38: {  	[sflag:s16] =	ssyncadd.s32 $0xFFFFC000  }
0x39: {  	[hbm4b:s19+s2] =	stream.linear.scatter [tilespmem:s14], [sflag:$0x3], $0x4000, $0x38;
	[tilespmem:$0x8100] =	vst v63  }
0x3a: {  	_ =	swait.ge [sflag:s12], $0x4000  }
0x3b: {  	[sflag:s12] =	ssyncset.done $0x0  }
0x3c: {  	s21 =	sadd.s32 s20, s11;
	s20 =	smov.u32 s23;
	[sflag:s12] =	ssyncadd.s32 $0xFFFFC000  }
0x3d: {  	[tilespmem:s2], [sflag:$0x3] =	stream.linear.gather [hbm4b:s21+s2], $0x80, $0x38;
	[tilespmem:$0x8100] =	vst v63  }
0x3e: {  	_ =	swait.ge [sflag:s12], $0x80  }
0x3f: {  	[sflag:s12] =	ssyncset.done $0x0  }
0x40: {  	[sflag:s12] =	ssyncadd.s32 $0xFFFFFF80  }
0x41: {  	[tilespmem:s14], [sflag:$0x1] =	stream.indirect.gather [hbm4b:s3+s13], $0x80, s2, s13, $0xb8;
	[tilespmem:$0x8100] =	vst v63  }
0x42: {  	_ =	swait.ge [sflag:s17], $0x4000  }
.Ltmp0:
0x43: {  	[sflag:s17] =	ssyncset.done $0x0;
	(pc) =	sbr.rel @p0 .LBB2_2-.Ltmp0, $4  }
0x44: {  	s21 =	sadd.s32 $0x800, s19;
	[sflag:s17] =	ssyncadd.s32 $0xFFFFC000  }
0x45: {  	[hbm4b:s21+s2] =	stream.linear.scatter [tilespmem:s15], [sflag:$0x3], $0x4000, $0x38;
	[tilespmem:$0x8100] =	vst v63  }
0x46: {  	_ =	swait.ge [sflag:s12], $0x4000  }
0x47: {  	s19 =	sadd.s32 $0x1000, s19;
	s21 =	smov.u32 s24;
	[sflag:s12] =	ssyncset.done $0x0  }
0x48: {  	s21 =	sadd.s32 s20, s10;
	[sflag:s12] =	ssyncadd.s32 $0xFFFFC000  }
0x49: {  	[tilespmem:s13], [sflag:$0x3] =	stream.linear.gather [hbm4b:s21+s2], $0x80, $0x38;
	[tilespmem:$0x8100] =	vst v63  }
0x4a: {  	_ =	swait.ge [sflag:s12], $0x80  }
0x4b: {  	[sflag:s12] =	ssyncset.done $0x0  }
0x4c: {  	[sflag:s12] =	ssyncadd.s32 $0xFFFFFF80  }
0x4d: {  	[tilespmem:s15], [sflag:$0x2] =	stream.indirect.gather [hbm4b:s3+s13], $0x80, s13, s13, $0xb8;
	[tilespmem:$0x8100] =	vst v63  }
0x4e: {  	_ =	swait.ge [sflag:s16], $0x4000  }
0x4f: {  	[sflag:s16] =	ssyncset.done $0x0  }
0x50: {  	[sflag:s16] =	ssyncadd.s32 $0xFFFFC000  }
0x51: {  	[hbm4b:s19+s2] =	stream.linear.scatter [tilespmem:s14], [sflag:$0x3], $0x4000, $0x38;
	[tilespmem:$0x8100] =	vst v63  }
0x52: {  	_ =	swait.ge [sflag:s12], $0x4000  }
0x53: {  	[sflag:s12] =	ssyncset.done $0x0  }
0x54: {  	s30 =	sadd.s32 s20, s11;
	[sflag:s12] =	ssyncadd.s32 $0xFFFFC000  }
0x55: {  	[tilespmem:s2], [sflag:$0x3] =	stream.linear.gather [hbm4b:s30+s2], $0x80, $0x38;
	[tilespmem:$0x8100] =	vst v63  }
0x56: {  	_ =	swait.ge [sflag:s12], $0x80  }
0x57: {  	[sflag:s12] =	ssyncset.done $0x0  }
0x58: {  	[sflag:s12] =	ssyncadd.s32 $0xFFFFFF80  }
0x59: {  	[tilespmem:s14], [sflag:$0x1] =	stream.indirect.gather [hbm4b:s3+s13], $0x80, s2, s13, $0xb8;
	[tilespmem:$0x8100] =	vst v63  }
0x5a: {  	_ =	swait.ge [sflag:s17], $0x4000  }
0x5b: {  	[sflag:s17] =	ssyncset.done $0x0  }
0x5c: {  	s31 =	sadd.s32 $0x800, s19;
	[sflag:s17] =	ssyncadd.s32 $0xFFFFC000  }
0x5d: {  	[hbm4b:s31+s2] =	stream.linear.scatter [tilespmem:s15], [sflag:$0x3], $0x4000, $0x38;
	[tilespmem:$0x8100] =	vst v63  }
0x5e: {  	_ =	swait.ge [sflag:s12], $0x4000  }
0x5f: {  	[sflag:s12] =	ssyncset.done $0x0  }
0x60: {  	[sflag:s12] =	ssyncadd.s32 $0xFFFFC000  }
0x61: {  	[tilespmem:s13], [sflag:$0x3] =	stream.linear.gather [hbm4b:s6+s2], $0x80, $0x38;
	[tilespmem:$0x8100] =	vst v63  }
0x62: {  	_ =	swait.ge [sflag:s12], $0x80  }
0x63: {  	[sflag:s12] =	ssyncset.done $0x0  }
0x64: {  	[sflag:s12] =	ssyncadd.s32 $0xFFFFFF80  }
0x65: {  	[tilespmem:s15], [sflag:$0x2] =	stream.indirect.gather [hbm4b:s3+s13], $0x80, s13, s13, $0xb8;
	[tilespmem:$0x8100] =	vst v63  }
0x66: {  	_ =	swait.ge [sflag:s16], $0x4000  }
0x67: {  	[sflag:s16] =	ssyncset.done $0x0  }
0x68: {  	[sflag:s16] =	ssyncadd.s32 $0xFFFFC000  }
0x69: {  	[hbm4b:s7+s2] =	stream.linear.scatter [tilespmem:s14], [sflag:$0x3], $0x4000, $0x38;
	[tilespmem:$0x8100] =	vst v63  }
0x6a: {  	_ =	swait.ge [sflag:s12], $0x4000  }
0x6b: {  	[sflag:s12] =	ssyncset.done $0x0  }
0x6c: {  	[sflag:s12] =	ssyncadd.s32 $0xFFFFC000  }
0x6d: {  	s18 =	sadd.s32 $0x1, s18;
	_ =	swait.ge [sflag:s17], $0x4000  }
0x6e: {  	p0 =	sne.s32 s18, s5;
	[sflag:s17] =	ssyncset.done $0x0  }
.Ltmp1:
0x6f: {  	[sflag:s17] =	ssyncadd.s32 $0xFFFFC000;
	(pc) =	sbr.rel @p0 .LBB2_1-.Ltmp1, $4  }
0x70: {  	[hbm4b:s8+s2] =	stream.linear.scatter [tilespmem:s15], [sflag:$0x3], $0x4000, $0x38;
	[tilespmem:$0x8100] =	vst v63  }
0x71: {  	_ =	swait.ge [sflag:s12], $0x4000  }
0x72: {  	[sflag:s12] =	ssyncset.done $0x0  }
0x73: {  	[sflag:s12] =	ssyncadd.s32 $0xFFFFC000  }
0x74: {  	_ =	sfence.sel $0x180000  }
0x75: {  	[bflag:$0x0] =	sbarrier.arrive $0xFFFF  }
0x76: {  	p0 =	sne.s32 s1, $0x0;
	_ =	strace $0x90000047  }
0x77: {  	s0 =	sadd.s32 @!p0 $0x100000, s0;
	[bflag:$0x2] =	sbarrier.arrive $0xFFFF  }
0x78: {  	[sflag:s0] =	ssyncadd.tile.s32 @!p0 $0x1;
	_ =	shalt  }
.Lfunc_end2:
_tile_overlayer_lowered:
.L_overlay_start_2:
0x79: {  	(tag) =	ssettag $0x2  }
0x7a: {  	s0 =	rddreg [dreg:$0x0];
	s2 =	stileid.u32  }
0x7b: {  	s1 =	rddreg [dreg:$0x1];
	p0 =	sne.s32 s2, $0x0  }
0x7c: {  	s3 =	rddreg [dreg:$0x2];
	[bflag:$0x3] =	sbarrier.arrive $0xFFFF;
	s2 =	simm.s32 @!p0 $0x1C03  }
0x7d: {  	[timem:s3], [sflag:s2] =	dma.local @!p0 [hbm:s0], s1  }
0x7e: {  	s0 =	simm.s32 @!p0 $0x3  }
0x7f: {  	_ =	swait.ge @!p0 [sflag:s0], s1  }
0x80: {  	s1 =	ssub.s32 @!p0 $0x0, s1;
	[sflag:s0] =	ssyncset.done @!p0 $0x0  }
0x81: {  	[sflag:s0] =	ssyncadd.s32 @!p0 s1  }
0x82: {  	[bflag:$0x3] =	sbarrier.arrive $0xFFFF  }
0x83: {  	_ =	shalt  }

</sc_bundles>
